<compile_context>
chip_gen: v7x
topology: tpu7x:2x2x1
jax: 0.10.2.dev20260603
libtpu: 0.0.44.dev20260713+nightly
codegen_flags: <defaults>
</compile_context>

<pallas_src>
import functools

import jax
import jax.numpy as jnp
from jax import lax
from jax.experimental import pallas as pl
from jax.experimental.pallas import tpu as pltpu
from jax.experimental.pallas import tpu_sc as plsc

N = 10000
NP = 10240
D = 128
NCLS = 64

NC = 2
NS = 16
NW = NC * NS
CH = 128

RPT = NP // NS

R = 1024
G = NP // R

_MESH = dict(core_axis_name="c", subcore_axis_name="s")


def _deg_body(ew, nch, dst_hbm, w_hbm, degp_hbm, acc_v, dst_v, w_v):
    cid = lax.axis_index("c")
    sid = lax.axis_index("s")
    wid = sid * NC + cid

    def zero(i, c):
        acc_v[pl.ds(i * 16, 16)] = jnp.zeros((16,), jnp.float32)
        return c

    lax.fori_loop(0, NP // 16, zero, 0)

    base = wid * ew

    def chunk(ci, c):
        off = base + ci * CH
        pltpu.sync_copy(dst_hbm.at[pl.ds(off, CH)], dst_v)
        pltpu.sync_copy(w_hbm.at[pl.ds(off, CH)], w_v)

        def grp(g, cc):
            idxv = dst_v[pl.ds(g * 16, 16)]
            wv = w_v[pl.ds(g * 16, 16)]
            plsc.addupdate_scatter(acc_v, [idxv], wv)
            return cc

        lax.fori_loop(0, CH // 16, grp, 0)
        return c

    lax.fori_loop(0, nch, chunk, 0)
    pltpu.sync_copy(acc_v, degp_hbm.at[wid])


def _make_sc_deg(ep):
    ew = ep // NW
    nch = ew // CH
    return pl.kernel(
        functools.partial(_deg_body, ew, nch),
        out_type=jax.ShapeDtypeStruct((NW, NP), jnp.float32),
        mesh=plsc.VectorSubcoreMesh(**_MESH),
        compiler_params=pltpu.CompilerParams(needs_layout_passes=False),
        scratch_types=[
            pltpu.VMEM((NP,), jnp.float32),
            pltpu.VMEM((CH,), jnp.int32),
            pltpu.VMEM((CH,), jnp.float32),
        ],
    )


def _edge_body(ew, nch, hp_hbm, src_hbm, dst_hbm, w_hbm, accp_hbm,
               acc_s, rows_v, src_v, dst_v, w_v, sem):
    cid = lax.axis_index("c")
    sid = lax.axis_index("s")
    wid = sid * NC + cid

    def zrow(r, c):
        for k in range(D // 16):
            rows_v[r, pl.ds(k * 16, 16)] = jnp.zeros((16,), jnp.float32)
        return c

    lax.fori_loop(0, CH, zrow, 0)
    for z in range(RPT // CH):
        pltpu.sync_copy(rows_v, acc_s.at[pl.ds(sid * RPT + z * CH, CH)])
    plsc.subcore_barrier()

    base = wid * ew

    def chunk(ci, c):
        off = base + ci * CH
        pltpu.sync_copy(src_hbm.at[pl.ds(off, CH)], src_v)
        pltpu.sync_copy(dst_hbm.at[pl.ds(off, CH)], dst_v)
        pltpu.sync_copy(w_hbm.at[pl.ds(off, CH)], w_v)
        pltpu.async_copy(hp_hbm.at[src_v], rows_v, sem).wait()

        def scale(r, cc):
            ws = plsc.load_gather(w_v, [jnp.full((16,), r, jnp.int32)])
            for k in range(D // 16):
                sl = pl.ds(k * 16, 16)
                rows_v[r, sl] = rows_v[r, sl] * ws
            return cc

        lax.fori_loop(0, CH, scale, 0)
        pltpu.sync_copy(rows_v, acc_s.at[dst_v], add=True)
        return c

    lax.fori_loop(0, nch, chunk, 0)
    plsc.subcore_barrier()
    pltpu.sync_copy(acc_s.at[pl.ds(sid * RPT, RPT)],
                    accp_hbm.at[cid, pl.ds(sid * RPT, RPT)])


def _make_sc_edges(ep):
    ew = ep // NW
    nch = ew // CH
    return pl.kernel(
        functools.partial(_edge_body, ew, nch),
        out_type=jax.ShapeDtypeStruct((NC, NP, D), jnp.float32),
        mesh=plsc.VectorSubcoreMesh(**_MESH),
        compiler_params=pltpu.CompilerParams(needs_layout_passes=False),
        scratch_types=[
            pltpu.VMEM_SHARED((NP, D), jnp.float32),
            pltpu.VMEM((CH, D), jnp.float32),
            pltpu.VMEM((CH,), jnp.int32),
            pltpu.VMEM((CH,), jnp.int32),
            pltpu.VMEM((CH,), jnp.float32),
            pltpu.SemaphoreType.DMA,
        ],
    )


def _tc_prep_body(degp_ref, x_ref, w_ref, hp_ref, disb_ref):
    deg = jnp.sum(degp_ref[...], axis=0) + 1.0
    dis = jnp.where(deg > 0, lax.rsqrt(jnp.maximum(deg, 1e-12)), 0.0)
    h = jnp.dot(x_ref[...], w_ref[...], preferred_element_type=jnp.float32,
                precision=lax.Precision.HIGHEST)
    d2 = jnp.broadcast_to(dis[:, None], (R, D))
    hp_ref[...] = h * d2
    disb_ref[...] = d2


def _tc_prep(degp, x, w1):
    return pl.pallas_call(
        _tc_prep_body,
        grid=(G,),
        in_specs=[
            pl.BlockSpec((NW, R), lambda i: (0, i)),
            pl.BlockSpec((R, D), lambda i: (i, 0)),
            pl.BlockSpec((D, D), lambda i: (0, 0)),
        ],
        out_specs=[
            pl.BlockSpec((R, D), lambda i: (i, 0)),
            pl.BlockSpec((R, D), lambda i: (i, 0)),
        ],
        out_shape=[
            jax.ShapeDtypeStruct((NP, D), jnp.float32),
            jax.ShapeDtypeStruct((NP, D), jnp.float32),
        ],
    )(degp, x, w1)


def _tc_mid_body(accp_ref, hp_ref, disb_ref, b_ref, w_ref, out_ref):
    acc = accp_ref[0] + accp_ref[1]
    z = jnp.maximum(disb_ref[...] * (acc + hp_ref[...]) + b_ref[...], 0.0)
    out_ref[...] = disb_ref[...] * jnp.dot(
        z, w_ref[...], preferred_element_type=jnp.float32,
        precision=lax.Precision.HIGHEST)


def _tc_mid(accp, hp, disb, b, w2):
    return pl.pallas_call(
        _tc_mid_body,
        grid=(G,),
        in_specs=[
            pl.BlockSpec((NC, R, D), lambda i: (0, i, 0)),
            pl.BlockSpec((R, D), lambda i: (i, 0)),
            pl.BlockSpec((R, D), lambda i: (i, 0)),
            pl.BlockSpec((1, D), lambda i: (0, 0)),
            pl.BlockSpec((D, D), lambda i: (0, 0)),
        ],
        out_specs=pl.BlockSpec((R, D), lambda i: (i, 0)),
        out_shape=jax.ShapeDtypeStruct((NP, D), jnp.float32),
    )(accp, hp, disb, b.reshape(1, D), w2)


def _tc_final_body(accp_ref, hp_ref, disb_ref, b_ref, w_ref, bfc_ref, out_ref):
    acc = accp_ref[0] + accp_ref[1]
    z = jnp.maximum(disb_ref[...] * (acc + hp_ref[...]) + b_ref[...], 0.0)
    out_ref[...] = jnp.dot(z, w_ref[...], preferred_element_type=jnp.float32,
                           precision=lax.Precision.HIGHEST) + bfc_ref[...]


def _tc_final(accp, hp, disb, b, wfc, bfc):
    return pl.pallas_call(
        _tc_final_body,
        grid=(G,),
        in_specs=[
            pl.BlockSpec((NC, R, D), lambda i: (0, i, 0)),
            pl.BlockSpec((R, D), lambda i: (i, 0)),
            pl.BlockSpec((R, D), lambda i: (i, 0)),
            pl.BlockSpec((1, D), lambda i: (0, 0)),
            pl.BlockSpec((D, NCLS), lambda i: (0, 0)),
            pl.BlockSpec((1, NCLS), lambda i: (0, 0)),
        ],
        out_specs=pl.BlockSpec((R, NCLS), lambda i: (i, 0)),
        out_shape=jax.ShapeDtypeStruct((NP, NCLS), jnp.float32),
    )(accp, hp, disb, b.reshape(1, D), wfc, bfc.reshape(1, NCLS))


def kernel(x, edge_index, edge_attr, W1, b1, W2, b2, Wfc, bfc):
    e = edge_index.shape[1]
    ep = -(-e // (NW * CH)) * (NW * CH)
    pad = ep - e
    src = jnp.concatenate([edge_index[0], jnp.zeros((pad,), edge_index.dtype)])
    dst = jnp.concatenate([edge_index[1], jnp.zeros((pad,), edge_index.dtype)])
    w = jnp.concatenate([edge_attr, jnp.zeros((pad,), edge_attr.dtype)])
    xp = jnp.pad(x, ((0, NP - x.shape[0]), (0, 0)))

    sc_deg = _make_sc_deg(ep)
    sc_edges = _make_sc_edges(ep)

    degp = sc_deg(dst, w)
    hp1, disb = _tc_prep(degp, xp, W1)
    accp1 = sc_edges(hp1, src, dst, w)
    hp2 = _tc_mid(accp1, hp1, disb, b1, W2)
    accp2 = sc_edges(hp2, src, dst, w)
    return _tc_final(accp2, hp2, disb, b2, Wfc, bfc)[:N]

# --- scband reference (transcript-rebuilt; emitter-appended) ---
"""Pipeline reference for scband-gcn-84576495993582 (READ-ONLY COPY).

The authoritative reference and input builder live on the scoring server;
editing this copy changes nothing except your own understanding.
"""

import jax, jax.numpy as jnp
import numpy as np

N = 10000
E = 320000
D_IN = 128
D_H = 128
D_OUT = 128
NCLS = 64


def gcn_conv(x, edge_index, edge_weight, W, b):
    # PyG GCNConv with add_self_loops=True, normalize=True, edge_weight support.
    n = x.shape[0]
    loop = jnp.arange(n, dtype=edge_index.dtype)
    src = jnp.concatenate([edge_index[0], loop])
    dst = jnp.concatenate([edge_index[1], loop])
    w = jnp.concatenate([edge_weight, jnp.ones((n,), x.dtype)])
    deg = jnp.zeros((n,), x.dtype).at[dst].add(w)
    dis = jnp.where(deg > 0, jax.lax.rsqrt(jnp.maximum(deg, 1e-12)), 0.0)
    norm = dis[src] * w * dis[dst]
    h = x @ W
    msg = h[src] * norm[:, None]
    out = jnp.zeros((n, W.shape[1]), x.dtype).at[dst].add(msg)
    return out + b


def setup_inputs(seed: int = 0) -> dict:
    key = jax.random.key(seed)
    ks = jax.random.split(key, 8)
    x = jax.random.normal(ks[0], (N, D_IN), dtype=jnp.float32)
    edge_index = jax.random.randint(ks[1], (2, E), 0, N, dtype=jnp.int32)
    edge_attr = jax.random.uniform(ks[2], (E,), dtype=jnp.float32)
    W1 = jax.random.normal(ks[3], (D_IN, D_H), dtype=jnp.float32) * (1.0 / np.sqrt(D_IN))
    b1 = jnp.zeros((D_H,), jnp.float32)
    W2 = jax.random.normal(ks[4], (D_H, D_OUT), dtype=jnp.float32) * (1.0 / np.sqrt(D_H))
    b2 = jnp.zeros((D_OUT,), jnp.float32)
    Wfc = jax.random.normal(ks[5], (D_OUT, NCLS), dtype=jnp.float32) * (1.0 / np.sqrt(D_OUT))
    bfc = jnp.zeros((NCLS,), jnp.float32)
    return {"x": x, "edge_index": edge_index, "edge_attr": edge_attr,
            "W1": W1, "b1": b1, "W2": W2, "b2": b2, "Wfc": Wfc, "bfc": bfc}


def reference(x, edge_index, edge_attr, W1, b1, W2, b2, Wfc, bfc):
    # eval mode: dropout(p=0.5, training=False) is identity
    h = jax.nn.relu(gcn_conv(x, edge_index, edge_attr, W1, b1))
    h = jax.nn.relu(gcn_conv(h, edge_index, edge_attr, W2, b2))
    return h @ Wfc + bfc

if __name__ == "__main__":
    import jax
    _d = setup_inputs()
    print(jax.jit(kernel)(*tuple(_d.values())))

</pallas_src>

<mosaic_0001>
#map = affine_map<(d0, d1) -> (0, 0)>
#map1 = affine_map<(d0, d1) -> (0)>
#map2 = affine_map<(d0, d1) -> (0, 0, 0)>
module attributes {stable_mosaic.version = 14 : i64} {
  func.func @_edge_body(%arg0: i32, %arg1: i32, %arg2: memref<10240x128xf32, #tpu.memory_space<hbm>>, %arg3: memref<323584xi32, #tpu.memory_space<hbm>>, %arg4: memref<323584xi32, #tpu.memory_space<hbm>>, %arg5: memref<323584xf32, #tpu.memory_space<hbm>>, %arg6: memref<2x10240x128xf32, #tpu.memory_space<hbm>>, %arg7: memref<10240x128xf32, #tpu.memory_space<vmem_shared>>, %arg8: memref<128x128xf32, #tpu.memory_space<vmem>>, %arg9: memref<128xi32, #tpu.memory_space<vmem>>, %arg10: memref<128xi32, #tpu.memory_space<vmem>>, %arg11: memref<128xf32, #tpu.memory_space<vmem>>, %arg12: memref<!tpu.dma_semaphore, #tpu.memory_space<semaphore_mem>>) attributes {dimension_semantics = [#tpu.dimension_semantics<core_parallel>, #tpu.dimension_semantics<subcore_parallel>], iteration_bounds = array<i64: 2, 16>, scalar_prefetch = 0 : i64, scratch_operands = 6 : i64, tpu.core_type = #tpu.core_type<sc_vector_subcore>, window_params = [{transform_indices = #map}, {transform_indices = #map1}, {transform_indices = #map1}, {transform_indices = #map1}, {transform_indices = #map2}]} {
    %mul3A = arith.constant 2 : i32
    %mul3A_0 = arith.muli %arg1, %mul3A : i32
    %add3A = arith.addi %mul3A_0, %arg0 : i32
    %scan3A = arith.constant 0 : i32
    %scan3A_1 = arith.constant 0 : i32
    %scan3A_2 = arith.constant 128 : i32
    %scan3A_3 = arith.addi %scan3A_1, %scan3A_2 : i32
    %scan3A_4 = arith.constant 1 : i32
    scf.for %scan3A_39 = %scan3A_1 to %scan3A_3 step %scan3A_4  : i32 {
      %broadcast_in_dim3A = arith.constant 0.000000e+00 : f32
      %broadcast_in_dim3A_40 = vector.broadcast %broadcast_in_dim3A : f32 to vector<16xf32>
      %swap3A = arith.index_cast %scan3A_39 : i32 to index
      %swap3A_41 = arith.constant 0 : index
      %swap3A_42 = tpu.vector_load %arg8[%swap3A, %swap3A_41] {strides = array<i32>} : memref<128x128xf32, #tpu.memory_space<vmem>>, vector<16xf32>,
      tpu.vector_store %arg8[%swap3A, %swap3A_41], %broadcast_in_dim3A_40 {strides = array<i32>} : memref<128x128xf32, #tpu.memory_space<vmem>>, vector<16xf32>,
      %broadcast_in_dim3A_43 = arith.constant 0.000000e+00 : f32
      %broadcast_in_dim3A_44 = vector.broadcast %broadcast_in_dim3A_43 : f32 to vector<16xf32>
      %swap3A_45 = arith.index_cast %scan3A_39 : i32 to index
      %swap3A_46 = arith.constant 16 : index
      %swap3A_47 = tpu.vector_load %arg8[%swap3A_45, %swap3A_46] {strides = array<i32>} : memref<128x128xf32, #tpu.memory_space<vmem>>, vector<16xf32>,
      tpu.vector_store %arg8[%swap3A_45, %swap3A_46], %broadcast_in_dim3A_44 {strides = array<i32>} : memref<128x128xf32, #tpu.memory_space<vmem>>, vector<16xf32>,
      %broadcast_in_dim3A_48 = arith.constant 0.000000e+00 : f32
      %broadcast_in_dim3A_49 = vector.broadcast %broadcast_in_dim3A_48 : f32 to vector<16xf32>
      %swap3A_50 = arith.index_cast %scan3A_39 : i32 to index
      %swap3A_51 = arith.constant 32 : index
      %swap3A_52 = tpu.vector_load %arg8[%swap3A_50, %swap3A_51] {strides = array<i32>} : memref<128x128xf32, #tpu.memory_space<vmem>>, vector<16xf32>,
      tpu.vector_store %arg8[%swap3A_50, %swap3A_51], %broadcast_in_dim3A_49 {strides = array<i32>} : memref<128x128xf32, #tpu.memory_space<vmem>>, vector<16xf32>,
      %broadcast_in_dim3A_53 = arith.constant 0.000000e+00 : f32
      %broadcast_in_dim3A_54 = vector.broadcast %broadcast_in_dim3A_53 : f32 to vector<16xf32>
      %swap3A_55 = arith.index_cast %scan3A_39 : i32 to index
      %swap3A_56 = arith.constant 48 : index
      %swap3A_57 = tpu.vector_load %arg8[%swap3A_55, %swap3A_56] {strides = array<i32>} : memref<128x128xf32, #tpu.memory_space<vmem>>, vector<16xf32>,
      tpu.vector_store %arg8[%swap3A_55, %swap3A_56], %broadcast_in_dim3A_54 {strides = array<i32>} : memref<128x128xf32, #tpu.memory_space<vmem>>, vector<16xf32>,
      %broadcast_in_dim3A_58 = arith.constant 0.000000e+00 : f32
      %broadcast_in_dim3A_59 = vector.broadcast %broadcast_in_dim3A_58 : f32 to vector<16xf32>
      %swap3A_60 = arith.index_cast %scan3A_39 : i32 to index
      %swap3A_61 = arith.constant 64 : index
      %swap3A_62 = tpu.vector_load %arg8[%swap3A_60, %swap3A_61] {strides = array<i32>} : memref<128x128xf32, #tpu.memory_space<vmem>>, vector<16xf32>,
      tpu.vector_store %arg8[%swap3A_60, %swap3A_61], %broadcast_in_dim3A_59 {strides = array<i32>} : memref<128x128xf32, #tpu.memory_space<vmem>>, vector<16xf32>,
      %broadcast_in_dim3A_63 = arith.constant 0.000000e+00 : f32
      %broadcast_in_dim3A_64 = vector.broadcast %broadcast_in_dim3A_63 : f32 to vector<16xf32>
      %swap3A_65 = arith.index_cast %scan3A_39 : i32 to index
      %swap3A_66 = arith.constant 80 : index
      %swap3A_67 = tpu.vector_load %arg8[%swap3A_65, %swap3A_66] {strides = array<i32>} : memref<128x128xf32, #tpu.memory_space<vmem>>, vector<16xf32>,
      tpu.vector_store %arg8[%swap3A_65, %swap3A_66], %broadcast_in_dim3A_64 {strides = array<i32>} : memref<128x128xf32, #tpu.memory_space<vmem>>, vector<16xf32>,
      %broadcast_in_dim3A_68 = arith.constant 0.000000e+00 : f32
      %broadcast_in_dim3A_69 = vector.broadcast %broadcast_in_dim3A_68 : f32 to vector<16xf32>
      %swap3A_70 = arith.index_cast %scan3A_39 : i32 to index
      %swap3A_71 = arith.constant 96 : index
      %swap3A_72 = tpu.vector_load %arg8[%swap3A_70, %swap3A_71] {strides = array<i32>} : memref<128x128xf32, #tpu.memory_space<vmem>>, vector<16xf32>,
      tpu.vector_store %arg8[%swap3A_70, %swap3A_71], %broadcast_in_dim3A_69 {strides = array<i32>} : memref<128x128xf32, #tpu.memory_space<vmem>>, vector<16xf32>,
      %broadcast_in_dim3A_73 = arith.constant 0.000000e+00 : f32
      %broadcast_in_dim3A_74 = vector.broadcast %broadcast_in_dim3A_73 : f32 to vector<16xf32>
      %swap3A_75 = arith.index_cast %scan3A_39 : i32 to index
      %swap3A_76 = arith.constant 112 : index
      %swap3A_77 = tpu.vector_load %arg8[%swap3A_75, %swap3A_76] {strides = array<i32>} : memref<128x128xf32, #tpu.memory_space<vmem>>, vector<16xf32>,
      tpu.vector_store %arg8[%swap3A_75, %swap3A_76], %broadcast_in_dim3A_74 {strides = array<i32>} : memref<128x128xf32, #tpu.memory_space<vmem>>, vector<16xf32>,
    }
    %scan3A_5 = arith.constant 128 : i32
    %mul3A_6 = arith.constant 640 : i32
    %mul3A_7 = arith.muli %arg1, %mul3A_6 : i32
    %add3A_8 = arith.constant 0 : i32
    %add3A_9 = arith.addi %mul3A_7, %add3A_8 : i32
    "tpu.region"() ({
      %run_scoped3A = tpu.sem_alloc : memref<!tpu.dma_semaphore, #tpu.memory_space<semaphore_mem>>
      %dma_start3A = arith.constant 0 : i32
      %dma_start3A_39 = tpu.memref_slice %arg7[%add3A_9, %dma_start3A] : memref<10240x128xf32, #tpu.memory_space<vmem_shared>> -> memref<128x128xf32, #tpu.memory_space<vmem_shared>>
      %dma_start3A_40 = arith.constant 0 : i32
      %dma_start3A_41 = tpu.memref_slice %arg7[%add3A_9, %dma_start3A_40] : memref<10240x128xf32, #tpu.memory_space<vmem_shared>> -> memref<128x128xf32, #tpu.memory_space<vmem_shared>>
      tpu.enqueue_dma source(%arg8 : memref<128x128xf32, #tpu.memory_space<vmem>>) target(%dma_start3A_41 : memref<128x128xf32, #tpu.memory_space<vmem_shared>>) target_semaphore(%run_scoped3A : memref<!tpu.dma_semaphore, #tpu.memory_space<semaphore_mem>>)
      %dma_wait3A = arith.constant 0 : i32
      %dma_wait3A_42 = tpu.memref_slice %arg7[%add3A_9, %dma_wait3A] : memref<10240x128xf32, #tpu.memory_space<vmem_shared>> -> memref<128x128xf32, #tpu.memory_space<vmem_shared>>
      %dma_wait3A_43 = arith.constant 0 : i32
      %dma_wait3A_44 = tpu.memref_slice %arg7[%add3A_9, %dma_wait3A_43] : memref<10240x128xf32, #tpu.memory_space<vmem_shared>> -> memref<128x128xf32, #tpu.memory_space<vmem_shared>>
      tpu.wait_dma2 semaphore(%run_scoped3A : memref<!tpu.dma_semaphore, #tpu.memory_space<semaphore_mem>>) src(%arg8 : memref<128x128xf32, #tpu.memory_space<vmem>>) dst(%dma_wait3A_44 : memref<128x128xf32, #tpu.memory_space<vmem_shared>>)
      tpu.yield
    }) : () -> ()
    %mul3A_10 = arith.constant 640 : i32
    %mul3A_11 = arith.muli %arg1, %mul3A_10 : i32
    %add3A_12 = arith.constant 128 : i32
    %add3A_13 = arith.addi %mul3A_11, %add3A_12 : i32
    "tpu.region"() ({
      %run_scoped3A = tpu.sem_alloc : memref<!tpu.dma_semaphore, #tpu.memory_space<semaphore_mem>>
      %dma_start3A = arith.constant 0 : i32
      %dma_start3A_39 = tpu.memref_slice %arg7[%add3A_13, %dma_start3A] : memref<10240x128xf32, #tpu.memory_space<vmem_shared>> -> memref<128x128xf32, #tpu.memory_space<vmem_shared>>
      %dma_start3A_40 = arith.constant 0 : i32
      %dma_start3A_41 = tpu.memref_slice %arg7[%add3A_13, %dma_start3A_40] : memref<10240x128xf32, #tpu.memory_space<vmem_shared>> -> memref<128x128xf32, #tpu.memory_space<vmem_shared>>
      tpu.enqueue_dma source(%arg8 : memref<128x128xf32, #tpu.memory_space<vmem>>) target(%dma_start3A_41 : memref<128x128xf32, #tpu.memory_space<vmem_shared>>) target_semaphore(%run_scoped3A : memref<!tpu.dma_semaphore, #tpu.memory_space<semaphore_mem>>)
      %dma_wait3A = arith.constant 0 : i32
      %dma_wait3A_42 = tpu.memref_slice %arg7[%add3A_13, %dma_wait3A] : memref<10240x128xf32, #tpu.memory_space<vmem_shared>> -> memref<128x128xf32, #tpu.memory_space<vmem_shared>>
      %dma_wait3A_43 = arith.constant 0 : i32
      %dma_wait3A_44 = tpu.memref_slice %arg7[%add3A_13, %dma_wait3A_43] : memref<10240x128xf32, #tpu.memory_space<vmem_shared>> -> memref<128x128xf32, #tpu.memory_space<vmem_shared>>
      tpu.wait_dma2 semaphore(%run_scoped3A : memref<!tpu.dma_semaphore, #tpu.memory_space<semaphore_mem>>) src(%arg8 : memref<128x128xf32, #tpu.memory_space<vmem>>) dst(%dma_wait3A_44 : memref<128x128xf32, #tpu.memory_space<vmem_shared>>)
      tpu.yield
    }) : () -> ()
    %mul3A_14 = arith.constant 640 : i32
    %mul3A_15 = arith.muli %arg1, %mul3A_14 : i32
    %add3A_16 = arith.constant 256 : i32
    %add3A_17 = arith.addi %mul3A_15, %add3A_16 : i32
    "tpu.region"() ({
      %run_scoped3A = tpu.sem_alloc : memref<!tpu.dma_semaphore, #tpu.memory_space<semaphore_mem>>
      %dma_start3A = arith.constant 0 : i32
      %dma_start3A_39 = tpu.memref_slice %arg7[%add3A_17, %dma_start3A] : memref<10240x128xf32, #tpu.memory_space<vmem_shared>> -> memref<128x128xf32, #tpu.memory_space<vmem_shared>>
      %dma_start3A_40 = arith.constant 0 : i32
      %dma_start3A_41 = tpu.memref_slice %arg7[%add3A_17, %dma_start3A_40] : memref<10240x128xf32, #tpu.memory_space<vmem_shared>> -> memref<128x128xf32, #tpu.memory_space<vmem_shared>>
      tpu.enqueue_dma source(%arg8 : memref<128x128xf32, #tpu.memory_space<vmem>>) target(%dma_start3A_41 : memref<128x128xf32, #tpu.memory_space<vmem_shared>>) target_semaphore(%run_scoped3A : memref<!tpu.dma_semaphore, #tpu.memory_space<semaphore_mem>>)
      %dma_wait3A = arith.constant 0 : i32
      %dma_wait3A_42 = tpu.memref_slice %arg7[%add3A_17, %dma_wait3A] : memref<10240x128xf32, #tpu.memory_space<vmem_shared>> -> memref<128x128xf32, #tpu.memory_space<vmem_shared>>
      %dma_wait3A_43 = arith.constant 0 : i32
      %dma_wait3A_44 = tpu.memref_slice %arg7[%add3A_17, %dma_wait3A_43] : memref<10240x128xf32, #tpu.memory_space<vmem_shared>> -> memref<128x128xf32, #tpu.memory_space<vmem_shared>>
      tpu.wait_dma2 semaphore(%run_scoped3A : memref<!tpu.dma_semaphore, #tpu.memory_space<semaphore_mem>>) src(%arg8 : memref<128x128xf32, #tpu.memory_space<vmem>>) dst(%dma_wait3A_44 : memref<128x128xf32, #tpu.memory_space<vmem_shared>>)
      tpu.yield
    }) : () -> ()
    %mul3A_18 = arith.constant 640 : i32
    %mul3A_19 = arith.muli %arg1, %mul3A_18 : i32
    %add3A_20 = arith.constant 384 : i32
    %add3A_21 = arith.addi %mul3A_19, %add3A_20 : i32
    "tpu.region"() ({
      %run_scoped3A = tpu.sem_alloc : memref<!tpu.dma_semaphore, #tpu.memory_space<semaphore_mem>>
      %dma_start3A = arith.constant 0 : i32
      %dma_start3A_39 = tpu.memref_slice %arg7[%add3A_21, %dma_start3A] : memref<10240x128xf32, #tpu.memory_space<vmem_shared>> -> memref<128x128xf32, #tpu.memory_space<vmem_shared>>
      %dma_start3A_40 = arith.constant 0 : i32
      %dma_start3A_41 = tpu.memref_slice %arg7[%add3A_21, %dma_start3A_40] : memref<10240x128xf32, #tpu.memory_space<vmem_shared>> -> memref<128x128xf32, #tpu.memory_space<vmem_shared>>
      tpu.enqueue_dma source(%arg8 : memref<128x128xf32, #tpu.memory_space<vmem>>) target(%dma_start3A_41 : memref<128x128xf32, #tpu.memory_space<vmem_shared>>) target_semaphore(%run_scoped3A : memref<!tpu.dma_semaphore, #tpu.memory_space<semaphore_mem>>)
      %dma_wait3A = arith.constant 0 : i32
      %dma_wait3A_42 = tpu.memref_slice %arg7[%add3A_21, %dma_wait3A] : memref<10240x128xf32, #tpu.memory_space<vmem_shared>> -> memref<128x128xf32, #tpu.memory_space<vmem_shared>>
      %dma_wait3A_43 = arith.constant 0 : i32
      %dma_wait3A_44 = tpu.memref_slice %arg7[%add3A_21, %dma_wait3A_43] : memref<10240x128xf32, #tpu.memory_space<vmem_shared>> -> memref<128x128xf32, #tpu.memory_space<vmem_shared>>
      tpu.wait_dma2 semaphore(%run_scoped3A : memref<!tpu.dma_semaphore, #tpu.memory_space<semaphore_mem>>) src(%arg8 : memref<128x128xf32, #tpu.memory_space<vmem>>) dst(%dma_wait3A_44 : memref<128x128xf32, #tpu.memory_space<vmem_shared>>)
      tpu.yield
    }) : () -> ()
    %mul3A_22 = arith.constant 640 : i32
    %mul3A_23 = arith.muli %arg1, %mul3A_22 : i32
    %add3A_24 = arith.constant 512 : i32
    %add3A_25 = arith.addi %mul3A_23, %add3A_24 : i32
    "tpu.region"() ({
      %run_scoped3A = tpu.sem_alloc : memref<!tpu.dma_semaphore, #tpu.memory_space<semaphore_mem>>
      %dma_start3A = arith.constant 0 : i32
      %dma_start3A_39 = tpu.memref_slice %arg7[%add3A_25, %dma_start3A] : memref<10240x128xf32, #tpu.memory_space<vmem_shared>> -> memref<128x128xf32, #tpu.memory_space<vmem_shared>>
      %dma_start3A_40 = arith.constant 0 : i32
      %dma_start3A_41 = tpu.memref_slice %arg7[%add3A_25, %dma_start3A_40] : memref<10240x128xf32, #tpu.memory_space<vmem_shared>> -> memref<128x128xf32, #tpu.memory_space<vmem_shared>>
      tpu.enqueue_dma source(%arg8 : memref<128x128xf32, #tpu.memory_space<vmem>>) target(%dma_start3A_41 : memref<128x128xf32, #tpu.memory_space<vmem_shared>>) target_semaphore(%run_scoped3A : memref<!tpu.dma_semaphore, #tpu.memory_space<semaphore_mem>>)
      %dma_wait3A = arith.constant 0 : i32
      %dma_wait3A_42 = tpu.memref_slice %arg7[%add3A_25, %dma_wait3A] : memref<10240x128xf32, #tpu.memory_space<vmem_shared>> -> memref<128x128xf32, #tpu.memory_space<vmem_shared>>
      %dma_wait3A_43 = arith.constant 0 : i32
      %dma_wait3A_44 = tpu.memref_slice %arg7[%add3A_25, %dma_wait3A_43] : memref<10240x128xf32, #tpu.memory_space<vmem_shared>> -> memref<128x128xf32, #tpu.memory_space<vmem_shared>>
      tpu.wait_dma2 semaphore(%run_scoped3A : memref<!tpu.dma_semaphore, #tpu.memory_space<semaphore_mem>>) src(%arg8 : memref<128x128xf32, #tpu.memory_space<vmem>>) dst(%dma_wait3A_44 : memref<128x128xf32, #tpu.memory_space<vmem_shared>>)
      tpu.yield
    }) : () -> ()
    %barrier3A = arith.constant 0 : index
    tpu.barrier barrier_id(%barrier3A)
    %mul3A_26 = arith.constant 10112 : i32
    %mul3A_27 = arith.muli %add3A, %mul3A_26 : i32
    %scan3A_28 = arith.constant 0 : i32
    %scan3A_29 = arith.constant 0 : i32
    %scan3A_30 = arith.constant 79 : i32
    %scan3A_31 = arith.addi %scan3A_29, %scan3A_30 : i32
    %scan3A_32 = arith.constant 1 : i32
    scf.for %scan3A_39 = %scan3A_29 to %scan3A_31 step %scan3A_32  : i32 {
      %mul3A_40 = arith.constant 128 : i32
      %mul3A_41 = arith.muli %scan3A_39, %mul3A_40 : i32
      %add3A_42 = arith.addi %mul3A_27, %mul3A_41 : i32
      "tpu.region"() ({
        %run_scoped3A = tpu.sem_alloc : memref<!tpu.dma_semaphore, #tpu.memory_space<semaphore_mem>>
        %dma_start3A_53 = tpu.memref_slice %arg3[%add3A_42] : memref<323584xi32, #tpu.memory_space<hbm>> -> memref<128xi32, #tpu.memory_space<hbm>>
        %dma_start3A_54 = tpu.memref_slice %arg3[%add3A_42] : memref<323584xi32, #tpu.memory_space<hbm>> -> memref<128xi32, #tpu.memory_space<hbm>>
        tpu.enqueue_dma source(%dma_start3A_54 : memref<128xi32, #tpu.memory_space<hbm>>) target(%arg9 : memref<128xi32, #tpu.memory_space<vmem>>) target_semaphore(%run_scoped3A : memref<!tpu.dma_semaphore, #tpu.memory_space<semaphore_mem>>)
        %dma_wait3A_55 = tpu.memref_slice %arg3[%add3A_42] : memref<323584xi32, #tpu.memory_space<hbm>> -> memref<128xi32, #tpu.memory_space<hbm>>
        %dma_wait3A_56 = tpu.memref_slice %arg3[%add3A_42] : memref<323584xi32, #tpu.memory_space<hbm>> -> memref<128xi32, #tpu.memory_space<hbm>>
        tpu.wait_dma2 semaphore(%run_scoped3A : memref<!tpu.dma_semaphore, #tpu.memory_space<semaphore_mem>>) src(%dma_wait3A_56 : memref<128xi32, #tpu.memory_space<hbm>>) dst(%arg9 : memref<128xi32, #tpu.memory_space<vmem>>)
        tpu.yield
      }) : () -> ()
      "tpu.region"() ({
        %run_scoped3A = tpu.sem_alloc : memref<!tpu.dma_semaphore, #tpu.memory_space<semaphore_mem>>
        %dma_start3A_53 = tpu.memref_slice %arg4[%add3A_42] : memref<323584xi32, #tpu.memory_space<hbm>> -> memref<128xi32, #tpu.memory_space<hbm>>
        %dma_start3A_54 = tpu.memref_slice %arg4[%add3A_42] : memref<323584xi32, #tpu.memory_space<hbm>> -> memref<128xi32, #tpu.memory_space<hbm>>
        tpu.enqueue_dma source(%dma_start3A_54 : memref<128xi32, #tpu.memory_space<hbm>>) target(%arg10 : memref<128xi32, #tpu.memory_space<vmem>>) target_semaphore(%run_scoped3A : memref<!tpu.dma_semaphore, #tpu.memory_space<semaphore_mem>>)
        %dma_wait3A_55 = tpu.memref_slice %arg4[%add3A_42] : memref<323584xi32, #tpu.memory_space<hbm>> -> memref<128xi32, #tpu.memory_space<hbm>>
        %dma_wait3A_56 = tpu.memref_slice %arg4[%add3A_42] : memref<323584xi32, #tpu.memory_space<hbm>> -> memref<128xi32, #tpu.memory_space<hbm>>
        tpu.wait_dma2 semaphore(%run_scoped3A : memref<!tpu.dma_semaphore, #tpu.memory_space<semaphore_mem>>) src(%dma_wait3A_56 : memref<128xi32, #tpu.memory_space<hbm>>) dst(%arg10 : memref<128xi32, #tpu.memory_space<vmem>>)
        tpu.yield
      }) : () -> ()
      "tpu.region"() ({
        %run_scoped3A = tpu.sem_alloc : memref<!tpu.dma_semaphore, #tpu.memory_space<semaphore_mem>>
        %dma_start3A_53 = tpu.memref_slice %arg5[%add3A_42] : memref<323584xf32, #tpu.memory_space<hbm>> -> memref<128xf32, #tpu.memory_space<hbm>>
        %dma_start3A_54 = tpu.memref_slice %arg5[%add3A_42] : memref<323584xf32, #tpu.memory_space<hbm>> -> memref<128xf32, #tpu.memory_space<hbm>>
        tpu.enqueue_dma source(%dma_start3A_54 : memref<128xf32, #tpu.memory_space<hbm>>) target(%arg11 : memref<128xf32, #tpu.memory_space<vmem>>) target_semaphore(%run_scoped3A : memref<!tpu.dma_semaphore, #tpu.memory_space<semaphore_mem>>)
        %dma_wait3A_55 = tpu.memref_slice %arg5[%add3A_42] : memref<323584xf32, #tpu.memory_space<hbm>> -> memref<128xf32, #tpu.memory_space<hbm>>
        %dma_wait3A_56 = tpu.memref_slice %arg5[%add3A_42] : memref<323584xf32, #tpu.memory_space<hbm>> -> memref<128xf32, #tpu.memory_space<hbm>>
        tpu.wait_dma2 semaphore(%run_scoped3A : memref<!tpu.dma_semaphore, #tpu.memory_space<semaphore_mem>>) src(%dma_wait3A_56 : memref<128xf32, #tpu.memory_space<hbm>>) dst(%arg11 : memref<128xf32, #tpu.memory_space<vmem>>)
        tpu.yield
      }) : () -> ()
      %dma_start3A = arith.constant 0 : i32
      %dma_start3A_43 = arith.constant 0 : i32
      %dma_start3A_44 = tpu.memref_slice %arg2[%dma_start3A, %dma_start3A_43] : memref<10240x128xf32, #tpu.memory_space<hbm>> -> memref<10240x128xf32, #tpu.memory_space<hbm>>
      tpu.enqueue_indirect_dma source(%dma_start3A_44 : memref<10240x128xf32, #tpu.memory_space<hbm>>) target(%arg8 : memref<128x128xf32, #tpu.memory_space<vmem>>) offsets(%arg9 : memref<128xi32, #tpu.memory_space<vmem>>) semaphore(%arg12 : memref<!tpu.dma_semaphore, #tpu.memory_space<semaphore_mem>>)
      %dma_wait3A = arith.constant 0 : i32
      %dma_wait3A_45 = arith.constant 0 : i32
      %dma_wait3A_46 = tpu.memref_slice %arg2[%dma_wait3A, %dma_wait3A_45] : memref<10240x128xf32, #tpu.memory_space<hbm>> -> memref<10240x128xf32, #tpu.memory_space<hbm>>
      tpu.wait_indirect_dma semaphore(%arg12 : memref<!tpu.dma_semaphore, #tpu.memory_space<semaphore_mem>>) src(%dma_wait3A_46 : memref<10240x128xf32, #tpu.memory_space<hbm>>) dst(%arg8 : memref<128x128xf32, #tpu.memory_space<vmem>>)
      %scan3A_47 = arith.constant 0 : i32
      %scan3A_48 = arith.constant 0 : i32
      %scan3A_49 = arith.constant 128 : i32
      %scan3A_50 = arith.addi %scan3A_48, %scan3A_49 : i32
      %scan3A_51 = arith.constant 1 : i32
      scf.for %scan3A_53 = %scan3A_48 to %scan3A_50 step %scan3A_51  : i32 {
        %broadcast_in_dim3A = vector.broadcast %scan3A_53 : i32 to vector<16xi32>
        %gather3A = tpu.vector_load_idx %arg11[%broadcast_in_dim3A] : memref<128xf32, #tpu.memory_space<vmem>>[vector<16xi32>], vector<16xf32>,
        %get3A = arith.index_cast %scan3A_53 : i32 to index
        %get3A_54 = arith.constant 0 : index
        %get3A_55 = tpu.vector_load %arg8[%get3A, %get3A_54] {strides = array<i32>} : memref<128x128xf32, #tpu.memory_space<vmem>>, vector<16xf32>,
        %mul3A_56 = arith.mulf %get3A_55, %gather3A : vector<16xf32>
        %swap3A = arith.index_cast %scan3A_53 : i32 to index
        %swap3A_57 = arith.constant 0 : index
        %swap3A_58 = tpu.vector_load %arg8[%swap3A, %swap3A_57] {strides = array<i32>} : memref<128x128xf32, #tpu.memory_space<vmem>>, vector<16xf32>,
        tpu.vector_store %arg8[%swap3A, %swap3A_57], %mul3A_56 {strides = array<i32>} : memref<128x128xf32, #tpu.memory_space<vmem>>, vector<16xf32>,
        %get3A_59 = arith.index_cast %scan3A_53 : i32 to index
        %get3A_60 = arith.constant 16 : index
        %get3A_61 = tpu.vector_load %arg8[%get3A_59, %get3A_60] {strides = array<i32>} : memref<128x128xf32, #tpu.memory_space<vmem>>, vector<16xf32>,
        %mul3A_62 = arith.mulf %get3A_61, %gather3A : vector<16xf32>
        %swap3A_63 = arith.index_cast %scan3A_53 : i32 to index
        %swap3A_64 = arith.constant 16 : index
        %swap3A_65 = tpu.vector_load %arg8[%swap3A_63, %swap3A_64] {strides = array<i32>} : memref<128x128xf32, #tpu.memory_space<vmem>>, vector<16xf32>,
        tpu.vector_store %arg8[%swap3A_63, %swap3A_64], %mul3A_62 {strides = array<i32>} : memref<128x128xf32, #tpu.memory_space<vmem>>, vector<16xf32>,
        %get3A_66 = arith.index_cast %scan3A_53 : i32 to index
        %get3A_67 = arith.constant 32 : index
        %get3A_68 = tpu.vector_load %arg8[%get3A_66, %get3A_67] {strides = array<i32>} : memref<128x128xf32, #tpu.memory_space<vmem>>, vector<16xf32>,
        %mul3A_69 = arith.mulf %get3A_68, %gather3A : vector<16xf32>
        %swap3A_70 = arith.index_cast %scan3A_53 : i32 to index
        %swap3A_71 = arith.constant 32 : index
        %swap3A_72 = tpu.vector_load %arg8[%swap3A_70, %swap3A_71] {strides = array<i32>} : memref<128x128xf32, #tpu.memory_space<vmem>>, vector<16xf32>,
        tpu.vector_store %arg8[%swap3A_70, %swap3A_71], %mul3A_69 {strides = array<i32>} : memref<128x128xf32, #tpu.memory_space<vmem>>, vector<16xf32>,
        %get3A_73 = arith.index_cast %scan3A_53 : i32 to index
        %get3A_74 = arith.constant 48 : index
        %get3A_75 = tpu.vector_load %arg8[%get3A_73, %get3A_74] {strides = array<i32>} : memref<128x128xf32, #tpu.memory_space<vmem>>, vector<16xf32>,
        %mul3A_76 = arith.mulf %get3A_75, %gather3A : vector<16xf32>
        %swap3A_77 = arith.index_cast %scan3A_53 : i32 to index
        %swap3A_78 = arith.constant 48 : index
        %swap3A_79 = tpu.vector_load %arg8[%swap3A_77, %swap3A_78] {strides = array<i32>} : memref<128x128xf32, #tpu.memory_space<vmem>>, vector<16xf32>,
        tpu.vector_store %arg8[%swap3A_77, %swap3A_78], %mul3A_76 {strides = array<i32>} : memref<128x128xf32, #tpu.memory_space<vmem>>, vector<16xf32>,
        %get3A_80 = arith.index_cast %scan3A_53 : i32 to index
        %get3A_81 = arith.constant 64 : index
        %get3A_82 = tpu.vector_load %arg8[%get3A_80, %get3A_81] {strides = array<i32>} : memref<128x128xf32, #tpu.memory_space<vmem>>, vector<16xf32>,
        %mul3A_83 = arith.mulf %get3A_82, %gather3A : vector<16xf32>
        %swap3A_84 = arith.index_cast %scan3A_53 : i32 to index
        %swap3A_85 = arith.constant 64 : index
        %swap3A_86 = tpu.vector_load %arg8[%swap3A_84, %swap3A_85] {strides = array<i32>} : memref<128x128xf32, #tpu.memory_space<vmem>>, vector<16xf32>,
        tpu.vector_store %arg8[%swap3A_84, %swap3A_85], %mul3A_83 {strides = array<i32>} : memref<128x128xf32, #tpu.memory_space<vmem>>, vector<16xf32>,
        %get3A_87 = arith.index_cast %scan3A_53 : i32 to index
        %get3A_88 = arith.constant 80 : index
        %get3A_89 = tpu.vector_load %arg8[%get3A_87, %get3A_88] {strides = array<i32>} : memref<128x128xf32, #tpu.memory_space<vmem>>, vector<16xf32>,
        %mul3A_90 = arith.mulf %get3A_89, %gather3A : vector<16xf32>
        %swap3A_91 = arith.index_cast %scan3A_53 : i32 to index
        %swap3A_92 = arith.constant 80 : index
        %swap3A_93 = tpu.vector_load %arg8[%swap3A_91, %swap3A_92] {strides = array<i32>} : memref<128x128xf32, #tpu.memory_space<vmem>>, vector<16xf32>,
        tpu.vector_store %arg8[%swap3A_91, %swap3A_92], %mul3A_90 {strides = array<i32>} : memref<128x128xf32, #tpu.memory_space<vmem>>, vector<16xf32>,
        %get3A_94 = arith.index_cast %scan3A_53 : i32 to index
        %get3A_95 = arith.constant 96 : index
        %get3A_96 = tpu.vector_load %arg8[%get3A_94, %get3A_95] {strides = array<i32>} : memref<128x128xf32, #tpu.memory_space<vmem>>, vector<16xf32>,
        %mul3A_97 = arith.mulf %get3A_96, %gather3A : vector<16xf32>
        %swap3A_98 = arith.index_cast %scan3A_53 : i32 to index
        %swap3A_99 = arith.constant 96 : index
        %swap3A_100 = tpu.vector_load %arg8[%swap3A_98, %swap3A_99] {strides = array<i32>} : memref<128x128xf32, #tpu.memory_space<vmem>>, vector<16xf32>,
        tpu.vector_store %arg8[%swap3A_98, %swap3A_99], %mul3A_97 {strides = array<i32>} : memref<128x128xf32, #tpu.memory_space<vmem>>, vector<16xf32>,
        %get3A_101 = arith.index_cast %scan3A_53 : i32 to index
        %get3A_102 = arith.constant 112 : index
        %get3A_103 = tpu.vector_load %arg8[%get3A_101, %get3A_102] {strides = array<i32>} : memref<128x128xf32, #tpu.memory_space<vmem>>, vector<16xf32>,
        %mul3A_104 = arith.mulf %get3A_103, %gather3A : vector<16xf32>
        %swap3A_105 = arith.index_cast %scan3A_53 : i32 to index
        %swap3A_106 = arith.constant 112 : index
        %swap3A_107 = tpu.vector_load %arg8[%swap3A_105, %swap3A_106] {strides = array<i32>} : memref<128x128xf32, #tpu.memory_space<vmem>>, vector<16xf32>,
        tpu.vector_store %arg8[%swap3A_105, %swap3A_106], %mul3A_104 {strides = array<i32>} : memref<128x128xf32, #tpu.memory_space<vmem>>, vector<16xf32>,
      }
      %scan3A_52 = arith.constant 128 : i32
      "tpu.region"() ({
        %run_scoped3A = tpu.sem_alloc : memref<!tpu.dma_semaphore, #tpu.memory_space<semaphore_mem>>
        %dma_start3A_53 = arith.constant 0 : i32
        %dma_start3A_54 = arith.constant 0 : i32
        %dma_start3A_55 = tpu.memref_slice %arg7[%dma_start3A_53, %dma_start3A_54] : memref<10240x128xf32, #tpu.memory_space<vmem_shared>> -> memref<10240x128xf32, #tpu.memory_space<vmem_shared>>
        tpu.enqueue_indirect_dma source(%arg8 : memref<128x128xf32, #tpu.memory_space<vmem>>) target(%dma_start3A_55 : memref<10240x128xf32, #tpu.memory_space<vmem_shared>>) offsets(%arg10 : memref<128xi32, #tpu.memory_space<vmem>>) semaphore(%run_scoped3A : memref<!tpu.dma_semaphore, #tpu.memory_space<semaphore_mem>>) {add = true}
        %dma_wait3A_56 = arith.constant 0 : i32
        %dma_wait3A_57 = arith.constant 0 : i32
        %dma_wait3A_58 = tpu.memref_slice %arg7[%dma_wait3A_56, %dma_wait3A_57] : memref<10240x128xf32, #tpu.memory_space<vmem_shared>> -> memref<10240x128xf32, #tpu.memory_space<vmem_shared>>
        tpu.wait_indirect_dma semaphore(%run_scoped3A : memref<!tpu.dma_semaphore, #tpu.memory_space<semaphore_mem>>) src(%arg8 : memref<128x128xf32, #tpu.memory_space<vmem>>) dst(%dma_wait3A_58 : memref<10240x128xf32, #tpu.memory_space<vmem_shared>>)
        tpu.yield
      }) : () -> ()
    }
    %scan3A_33 = arith.constant 79 : i32
    %barrier3A_34 = arith.constant 0 : index
    tpu.barrier barrier_id(%barrier3A_34)
    %mul3A_35 = arith.constant 640 : i32
    %mul3A_36 = arith.muli %arg1, %mul3A_35 : i32
    %mul3A_37 = arith.constant 640 : i32
    %mul3A_38 = arith.muli %arg1, %mul3A_37 : i32
    "tpu.region"() ({
      %run_scoped3A = tpu.sem_alloc : memref<!tpu.dma_semaphore, #tpu.memory_space<semaphore_mem>>
      %dma_start3A = arith.constant 0 : i32
      %dma_start3A_39 = tpu.memref_slice %arg6[%arg0, %mul3A_38, %dma_start3A] : memref<2x10240x128xf32, #tpu.memory_space<hbm>> -> memref<1x640x128xf32, #tpu.memory_space<hbm>>
      %dma_start3A_40 = tpu.memref_squeeze %dma_start3A_39 : memref<1x640x128xf32, #tpu.memory_space<hbm>> -> memref<640x128xf32, #tpu.memory_space<hbm>>
      %dma_start3A_41 = arith.constant 0 : i32
      %dma_start3A_42 = tpu.memref_slice %arg7[%mul3A_36, %dma_start3A_41] : memref<10240x128xf32, #tpu.memory_space<vmem_shared>> -> memref<640x128xf32, #tpu.memory_space<vmem_shared>>
      tpu.enqueue_dma source(%dma_start3A_42 : memref<640x128xf32, #tpu.memory_space<vmem_shared>>) target(%dma_start3A_40 : memref<640x128xf32, #tpu.memory_space<hbm>>) target_semaphore(%run_scoped3A : memref<!tpu.dma_semaphore, #tpu.memory_space<semaphore_mem>>)
      %dma_wait3A = arith.constant 0 : i32
      %dma_wait3A_43 = tpu.memref_slice %arg6[%arg0, %mul3A_38, %dma_wait3A] : memref<2x10240x128xf32, #tpu.memory_space<hbm>> -> memref<1x640x128xf32, #tpu.memory_space<hbm>>
      %dma_wait3A_44 = tpu.memref_squeeze %dma_wait3A_43 : memref<1x640x128xf32, #tpu.memory_space<hbm>> -> memref<640x128xf32, #tpu.memory_space<hbm>>
      %dma_wait3A_45 = arith.constant 0 : i32
      %dma_wait3A_46 = tpu.memref_slice %arg7[%mul3A_36, %dma_wait3A_45] : memref<10240x128xf32, #tpu.memory_space<vmem_shared>> -> memref<640x128xf32, #tpu.memory_space<vmem_shared>>
      tpu.wait_dma2 semaphore(%run_scoped3A : memref<!tpu.dma_semaphore, #tpu.memory_space<semaphore_mem>>) src(%dma_wait3A_46 : memref<640x128xf32, #tpu.memory_space<vmem_shared>>) dst(%dma_wait3A_44 : memref<640x128xf32, #tpu.memory_space<hbm>>)
      tpu.yield
    }) : () -> ()
    return
  }
}

#map = affine_map<(d0, d1) -> (0)>
#map1 = affine_map<(d0, d1) -> (0, 0)>
module attributes {stable_mosaic.version = 14 : i64} {
  func.func @_deg_body(%arg0: i32, %arg1: i32, %arg2: memref<323584xi32, #tpu.memory_space<hbm>>, %arg3: memref<323584xf32, #tpu.memory_space<hbm>>, %arg4: memref<32x10240xf32, #tpu.memory_space<hbm>>, %arg5: memref<10240xf32, #tpu.memory_space<vmem>>, %arg6: memref<128xi32, #tpu.memory_space<vmem>>, %arg7: memref<128xf32, #tpu.memory_space<vmem>>) attributes {dimension_semantics = [#tpu.dimension_semantics<core_parallel>, #tpu.dimension_semantics<subcore_parallel>], iteration_bounds = array<i64: 2, 16>, scalar_prefetch = 0 : i64, scratch_operands = 3 : i64, tpu.core_type = #tpu.core_type<sc_vector_subcore>, window_params = [{transform_indices = #map}, {transform_indices = #map}, {transform_indices = #map1}]} {
    %mul3A = arith.constant 2 : i32
    %mul3A_0 = arith.muli %arg1, %mul3A : i32
    %add3A = arith.addi %mul3A_0, %arg0 : i32
    %scan3A = arith.constant 0 : i32
    %scan3A_1 = arith.constant 0 : i32
    %scan3A_2 = arith.constant 640 : i32
    %scan3A_3 = arith.addi %scan3A_1, %scan3A_2 : i32
    %scan3A_4 = arith.constant 1 : i32
    scf.for %scan3A_14 = %scan3A_1 to %scan3A_3 step %scan3A_4  : i32 {
      %broadcast_in_dim3A = arith.constant 0.000000e+00 : f32
      %broadcast_in_dim3A_15 = vector.broadcast %broadcast_in_dim3A : f32 to vector<16xf32>
      %mul3A_16 = arith.constant 16 : i32
      %mul3A_17 = arith.muli %scan3A_14, %mul3A_16 : i32
      %swap3A = arith.index_cast %mul3A_17 : i32 to index
      %swap3A_18 = tpu.vector_load %arg5[%swap3A] {strides = array<i32>} : memref<10240xf32, #tpu.memory_space<vmem>>, vector<16xf32>,
      tpu.vector_store %arg5[%swap3A], %broadcast_in_dim3A_15 {strides = array<i32>} : memref<10240xf32, #tpu.memory_space<vmem>>, vector<16xf32>,
    }
    %scan3A_5 = arith.constant 640 : i32
    %mul3A_6 = arith.constant 10112 : i32
    %mul3A_7 = arith.muli %add3A, %mul3A_6 : i32
    %scan3A_8 = arith.constant 0 : i32
    %scan3A_9 = arith.constant 0 : i32
    %scan3A_10 = arith.constant 79 : i32
    %scan3A_11 = arith.addi %scan3A_9, %scan3A_10 : i32
    %scan3A_12 = arith.constant 1 : i32
    scf.for %scan3A_14 = %scan3A_9 to %scan3A_11 step %scan3A_12  : i32 {
      %mul3A_15 = arith.constant 128 : i32
      %mul3A_16 = arith.muli %scan3A_14, %mul3A_15 : i32
      %add3A_17 = arith.addi %mul3A_7, %mul3A_16 : i32
      "tpu.region"() ({
        %run_scoped3A = tpu.sem_alloc : memref<!tpu.dma_semaphore, #tpu.memory_space<semaphore_mem>>
        %dma_start3A = tpu.memref_slice %arg2[%add3A_17] : memref<323584xi32, #tpu.memory_space<hbm>> -> memref<128xi32, #tpu.memory_space<hbm>>
        %dma_start3A_24 = tpu.memref_slice %arg2[%add3A_17] : memref<323584xi32, #tpu.memory_space<hbm>> -> memref<128xi32, #tpu.memory_space<hbm>>
        tpu.enqueue_dma source(%dma_start3A_24 : memref<128xi32, #tpu.memory_space<hbm>>) target(%arg6 : memref<128xi32, #tpu.memory_space<vmem>>) target_semaphore(%run_scoped3A : memref<!tpu.dma_semaphore, #tpu.memory_space<semaphore_mem>>)
        %dma_wait3A = tpu.memref_slice %arg2[%add3A_17] : memref<323584xi32, #tpu.memory_space<hbm>> -> memref<128xi32, #tpu.memory_space<hbm>>
        %dma_wait3A_25 = tpu.memref_slice %arg2[%add3A_17] : memref<323584xi32, #tpu.memory_space<hbm>> -> memref<128xi32, #tpu.memory_space<hbm>>
        tpu.wait_dma2 semaphore(%run_scoped3A : memref<!tpu.dma_semaphore, #tpu.memory_space<semaphore_mem>>) src(%dma_wait3A_25 : memref<128xi32, #tpu.memory_space<hbm>>) dst(%arg6 : memref<128xi32, #tpu.memory_space<vmem>>)
        tpu.yield
      }) : () -> ()
      "tpu.region"() ({
        %run_scoped3A = tpu.sem_alloc : memref<!tpu.dma_semaphore, #tpu.memory_space<semaphore_mem>>
        %dma_start3A = tpu.memref_slice %arg3[%add3A_17] : memref<323584xf32, #tpu.memory_space<hbm>> -> memref<128xf32, #tpu.memory_space<hbm>>
        %dma_start3A_24 = tpu.memref_slice %arg3[%add3A_17] : memref<323584xf32, #tpu.memory_space<hbm>> -> memref<128xf32, #tpu.memory_space<hbm>>
        tpu.enqueue_dma source(%dma_start3A_24 : memref<128xf32, #tpu.memory_space<hbm>>) target(%arg7 : memref<128xf32, #tpu.memory_space<vmem>>) target_semaphore(%run_scoped3A : memref<!tpu.dma_semaphore, #tpu.memory_space<semaphore_mem>>)
        %dma_wait3A = tpu.memref_slice %arg3[%add3A_17] : memref<323584xf32, #tpu.memory_space<hbm>> -> memref<128xf32, #tpu.memory_space<hbm>>
        %dma_wait3A_25 = tpu.memref_slice %arg3[%add3A_17] : memref<323584xf32, #tpu.memory_space<hbm>> -> memref<128xf32, #tpu.memory_space<hbm>>
        tpu.wait_dma2 semaphore(%run_scoped3A : memref<!tpu.dma_semaphore, #tpu.memory_space<semaphore_mem>>) src(%dma_wait3A_25 : memref<128xf32, #tpu.memory_space<hbm>>) dst(%arg7 : memref<128xf32, #tpu.memory_space<vmem>>)
        tpu.yield
      }) : () -> ()
      %scan3A_18 = arith.constant 0 : i32
      %scan3A_19 = arith.constant 0 : i32
      %scan3A_20 = arith.constant 8 : i32
      %scan3A_21 = arith.addi %scan3A_19, %scan3A_20 : i32
      %scan3A_22 = arith.constant 1 : i32
      scf.for %scan3A_24 = %scan3A_19 to %scan3A_21 step %scan3A_22  : i32 {
        %mul3A_25 = arith.constant 16 : i32
        %mul3A_26 = arith.muli %scan3A_24, %mul3A_25 : i32
        %get3A = arith.index_cast %mul3A_26 : i32 to index
        %get3A_27 = tpu.vector_load %arg6[%get3A] {strides = array<i32>} : memref<128xi32, #tpu.memory_space<vmem>>, vector<16xi32>,
        %mul3A_28 = arith.constant 16 : i32
        %mul3A_29 = arith.muli %scan3A_24, %mul3A_28 : i32
        %get3A_30 = arith.index_cast %mul3A_29 : i32 to index
        %get3A_31 = tpu.vector_load %arg7[%get3A_30] {strides = array<i32>} : memref<128xf32, #tpu.memory_space<vmem>>, vector<16xf32>,
        tpu.vector_store_idx %arg5[%get3A_27], %get3A_31 {add = true} : memref<10240xf32, #tpu.memory_space<vmem>>[vector<16xi32>], vector<16xf32>,
      }
      %scan3A_23 = arith.constant 8 : i32
    }
    %scan3A_13 = arith.constant 79 : i32
    "tpu.region"() ({
      %run_scoped3A = tpu.sem_alloc : memref<!tpu.dma_semaphore, #tpu.memory_space<semaphore_mem>>
      %dma_start3A = arith.constant 0 : i32
      %dma_start3A_14 = tpu.memref_slice %arg4[%add3A, %dma_start3A] : memref<32x10240xf32, #tpu.memory_space<hbm>> -> memref<1x10240xf32, #tpu.memory_space<hbm>>
      %dma_start3A_15 = tpu.memref_squeeze %dma_start3A_14 : memref<1x10240xf32, #tpu.memory_space<hbm>> -> memref<10240xf32, #tpu.memory_space<hbm>>
      %dma_start3A_16 = arith.constant 0 : i32
      %dma_start3A_17 = tpu.memref_slice %arg4[%add3A, %dma_start3A_16] : memref<32x10240xf32, #tpu.memory_space<hbm>> -> memref<1x10240xf32, #tpu.memory_space<hbm>>
      %dma_start3A_18 = tpu.memref_squeeze %dma_start3A_17 : memref<1x10240xf32, #tpu.memory_space<hbm>> -> memref<10240xf32, #tpu.memory_space<hbm>>
      tpu.enqueue_dma source(%arg5 : memref<10240xf32, #tpu.memory_space<vmem>>) target(%dma_start3A_18 : memref<10240xf32, #tpu.memory_space<hbm>>) target_semaphore(%run_scoped3A : memref<!tpu.dma_semaphore, #tpu.memory_space<semaphore_mem>>)
      %dma_wait3A = arith.constant 0 : i32
      %dma_wait3A_19 = tpu.memref_slice %arg4[%add3A, %dma_wait3A] : memref<32x10240xf32, #tpu.memory_space<hbm>> -> memref<1x10240xf32, #tpu.memory_space<hbm>>
      %dma_wait3A_20 = tpu.memref_squeeze %dma_wait3A_19 : memref<1x10240xf32, #tpu.memory_space<hbm>> -> memref<10240xf32, #tpu.memory_space<hbm>>
      %dma_wait3A_21 = arith.constant 0 : i32
      %dma_wait3A_22 = tpu.memref_slice %arg4[%add3A, %dma_wait3A_21] : memref<32x10240xf32, #tpu.memory_space<hbm>> -> memref<1x10240xf32, #tpu.memory_space<hbm>>
      %dma_wait3A_23 = tpu.memref_squeeze %dma_wait3A_22 : memref<1x10240xf32, #tpu.memory_space<hbm>> -> memref<10240xf32, #tpu.memory_space<hbm>>
      tpu.wait_dma2 semaphore(%run_scoped3A : memref<!tpu.dma_semaphore, #tpu.memory_space<semaphore_mem>>) src(%arg5 : memref<10240xf32, #tpu.memory_space<vmem>>) dst(%dma_wait3A_23 : memref<10240xf32, #tpu.memory_space<hbm>>)
      tpu.yield
    }) : () -> ()
    return
  }
}

#map = affine_map<(d0, d1) -> (0, 0)>
#map1 = affine_map<(d0, d1) -> (0)>
#map2 = affine_map<(d0, d1) -> (0, 0, 0)>
module attributes {stable_mosaic.version = 14 : i64} {
  func.func @_edge_body(%arg0: i32, %arg1: i32, %arg2: memref<10240x128xf32, #tpu.memory_space<hbm>>, %arg3: memref<323584xi32, #tpu.memory_space<hbm>>, %arg4: memref<323584xi32, #tpu.memory_space<hbm>>, %arg5: memref<323584xf32, #tpu.memory_space<hbm>>, %arg6: memref<2x10240x128xf32, #tpu.memory_space<hbm>>, %arg7: memref<10240x128xf32, #tpu.memory_space<vmem_shared>>, %arg8: memref<128x128xf32, #tpu.memory_space<vmem>>, %arg9: memref<128xi32, #tpu.memory_space<vmem>>, %arg10: memref<128xi32, #tpu.memory_space<vmem>>, %arg11: memref<128xf32, #tpu.memory_space<vmem>>, %arg12: memref<!tpu.dma_semaphore, #tpu.memory_space<semaphore_mem>>) attributes {dimension_semantics = [#tpu.dimension_semantics<core_parallel>, #tpu.dimension_semantics<subcore_parallel>], iteration_bounds = array<i64: 2, 16>, scalar_prefetch = 0 : i64, scratch_operands = 6 : i64, tpu.core_type = #tpu.core_type<sc_vector_subcore>, window_params = [{transform_indices = #map}, {transform_indices = #map1}, {transform_indices = #map1}, {transform_indices = #map1}, {transform_indices = #map2}]} {
    %mul3A = arith.constant 2 : i32
    %mul3A_0 = arith.muli %arg1, %mul3A : i32
    %add3A = arith.addi %mul3A_0, %arg0 : i32
    %scan3A = arith.constant 0 : i32
    %scan3A_1 = arith.constant 0 : i32
    %scan3A_2 = arith.constant 128 : i32
    %scan3A_3 = arith.addi %scan3A_1, %scan3A_2 : i32
    %scan3A_4 = arith.constant 1 : i32
    scf.for %scan3A_39 = %scan3A_1 to %scan3A_3 step %scan3A_4  : i32 {
      %broadcast_in_dim3A = arith.constant 0.000000e+00 : f32
      %broadcast_in_dim3A_40 = vector.broadcast %broadcast_in_dim3A : f32 to vector<16xf32>
      %swap3A = arith.index_cast %scan3A_39 : i32 to index
      %swap3A_41 = arith.constant 0 : index
      %swap3A_42 = tpu.vector_load %arg8[%swap3A, %swap3A_41] {strides = array<i32>} : memref<128x128xf32, #tpu.memory_space<vmem>>, vector<16xf32>,
      tpu.vector_store %arg8[%swap3A, %swap3A_41], %broadcast_in_dim3A_40 {strides = array<i32>} : memref<128x128xf32, #tpu.memory_space<vmem>>, vector<16xf32>,
      %broadcast_in_dim3A_43 = arith.constant 0.000000e+00 : f32
      %broadcast_in_dim3A_44 = vector.broadcast %broadcast_in_dim3A_43 : f32 to vector<16xf32>
      %swap3A_45 = arith.index_cast %scan3A_39 : i32 to index
      %swap3A_46 = arith.constant 16 : index
      %swap3A_47 = tpu.vector_load %arg8[%swap3A_45, %swap3A_46] {strides = array<i32>} : memref<128x128xf32, #tpu.memory_space<vmem>>, vector<16xf32>,
      tpu.vector_store %arg8[%swap3A_45, %swap3A_46], %broadcast_in_dim3A_44 {strides = array<i32>} : memref<128x128xf32, #tpu.memory_space<vmem>>, vector<16xf32>,
      %broadcast_in_dim3A_48 = arith.constant 0.000000e+00 : f32
      %broadcast_in_dim3A_49 = vector.broadcast %broadcast_in_dim3A_48 : f32 to vector<16xf32>
      %swap3A_50 = arith.index_cast %scan3A_39 : i32 to index
      %swap3A_51 = arith.constant 32 : index
      %swap3A_52 = tpu.vector_load %arg8[%swap3A_50, %swap3A_51] {strides = array<i32>} : memref<128x128xf32, #tpu.memory_space<vmem>>, vector<16xf32>,
      tpu.vector_store %arg8[%swap3A_50, %swap3A_51], %broadcast_in_dim3A_49 {strides = array<i32>} : memref<128x128xf32, #tpu.memory_space<vmem>>, vector<16xf32>,
      %broadcast_in_dim3A_53 = arith.constant 0.000000e+00 : f32
      %broadcast_in_dim3A_54 = vector.broadcast %broadcast_in_dim3A_53 : f32 to vector<16xf32>
      %swap3A_55 = arith.index_cast %scan3A_39 : i32 to index
      %swap3A_56 = arith.constant 48 : index
      %swap3A_57 = tpu.vector_load %arg8[%swap3A_55, %swap3A_56] {strides = array<i32>} : memref<128x128xf32, #tpu.memory_space<vmem>>, vector<16xf32>,
      tpu.vector_store %arg8[%swap3A_55, %swap3A_56], %broadcast_in_dim3A_54 {strides = array<i32>} : memref<128x128xf32, #tpu.memory_space<vmem>>, vector<16xf32>,
      %broadcast_in_dim3A_58 = arith.constant 0.000000e+00 : f32
      %broadcast_in_dim3A_59 = vector.broadcast %broadcast_in_dim3A_58 : f32 to vector<16xf32>
      %swap3A_60 = arith.index_cast %scan3A_39 : i32 to index
      %swap3A_61 = arith.constant 64 : index
      %swap3A_62 = tpu.vector_load %arg8[%swap3A_60, %swap3A_61] {strides = array<i32>} : memref<128x128xf32, #tpu.memory_space<vmem>>, vector<16xf32>,
      tpu.vector_store %arg8[%swap3A_60, %swap3A_61], %broadcast_in_dim3A_59 {strides = array<i32>} : memref<128x128xf32, #tpu.memory_space<vmem>>, vector<16xf32>,
      %broadcast_in_dim3A_63 = arith.constant 0.000000e+00 : f32
      %broadcast_in_dim3A_64 = vector.broadcast %broadcast_in_dim3A_63 : f32 to vector<16xf32>
      %swap3A_65 = arith.index_cast %scan3A_39 : i32 to index
      %swap3A_66 = arith.constant 80 : index
      %swap3A_67 = tpu.vector_load %arg8[%swap3A_65, %swap3A_66] {strides = array<i32>} : memref<128x128xf32, #tpu.memory_space<vmem>>, vector<16xf32>,
      tpu.vector_store %arg8[%swap3A_65, %swap3A_66], %broadcast_in_dim3A_64 {strides = array<i32>} : memref<128x128xf32, #tpu.memory_space<vmem>>, vector<16xf32>,
      %broadcast_in_dim3A_68 = arith.constant 0.000000e+00 : f32
      %broadcast_in_dim3A_69 = vector.broadcast %broadcast_in_dim3A_68 : f32 to vector<16xf32>
      %swap3A_70 = arith.index_cast %scan3A_39 : i32 to index
      %swap3A_71 = arith.constant 96 : index
      %swap3A_72 = tpu.vector_load %arg8[%swap3A_70, %swap3A_71] {strides = array<i32>} : memref<128x128xf32, #tpu.memory_space<vmem>>, vector<16xf32>,
      tpu.vector_store %arg8[%swap3A_70, %swap3A_71], %broadcast_in_dim3A_69 {strides = array<i32>} : memref<128x128xf32, #tpu.memory_space<vmem>>, vector<16xf32>,
      %broadcast_in_dim3A_73 = arith.constant 0.000000e+00 : f32
      %broadcast_in_dim3A_74 = vector.broadcast %broadcast_in_dim3A_73 : f32 to vector<16xf32>
      %swap3A_75 = arith.index_cast %scan3A_39 : i32 to index
      %swap3A_76 = arith.constant 112 : index
      %swap3A_77 = tpu.vector_load %arg8[%swap3A_75, %swap3A_76] {strides = array<i32>} : memref<128x128xf32, #tpu.memory_space<vmem>>, vector<16xf32>,
      tpu.vector_store %arg8[%swap3A_75, %swap3A_76], %broadcast_in_dim3A_74 {strides = array<i32>} : memref<128x128xf32, #tpu.memory_space<vmem>>, vector<16xf32>,
    }
    %scan3A_5 = arith.constant 128 : i32
    %mul3A_6 = arith.constant 640 : i32
    %mul3A_7 = arith.muli %arg1, %mul3A_6 : i32
    %add3A_8 = arith.constant 0 : i32
    %add3A_9 = arith.addi %mul3A_7, %add3A_8 : i32
    "tpu.region"() ({
      %run_scoped3A = tpu.sem_alloc : memref<!tpu.dma_semaphore, #tpu.memory_space<semaphore_mem>>
      %dma_start3A = arith.constant 0 : i32
      %dma_start3A_39 = tpu.memref_slice %arg7[%add3A_9, %dma_start3A] : memref<10240x128xf32, #tpu.memory_space<vmem_shared>> -> memref<128x128xf32, #tpu.memory_space<vmem_shared>>
      %dma_start3A_40 = arith.constant 0 : i32
      %dma_start3A_41 = tpu.memref_slice %arg7[%add3A_9, %dma_start3A_40] : memref<10240x128xf32, #tpu.memory_space<vmem_shared>> -> memref<128x128xf32, #tpu.memory_space<vmem_shared>>
      tpu.enqueue_dma source(%arg8 : memref<128x128xf32, #tpu.memory_space<vmem>>) target(%dma_start3A_41 : memref<128x128xf32, #tpu.memory_space<vmem_shared>>) target_semaphore(%run_scoped3A : memref<!tpu.dma_semaphore, #tpu.memory_space<semaphore_mem>>)
      %dma_wait3A = arith.constant 0 : i32
      %dma_wait3A_42 = tpu.memref_slice %arg7[%add3A_9, %dma_wait3A] : memref<10240x128xf32, #tpu.memory_space<vmem_shared>> -> memref<128x128xf32, #tpu.memory_space<vmem_shared>>
      %dma_wait3A_43 = arith.constant 0 : i32
      %dma_wait3A_44 = tpu.memref_slice %arg7[%add3A_9, %dma_wait3A_43] : memref<10240x128xf32, #tpu.memory_space<vmem_shared>> -> memref<128x128xf32, #tpu.memory_space<vmem_shared>>
      tpu.wait_dma2 semaphore(%run_scoped3A : memref<!tpu.dma_semaphore, #tpu.memory_space<semaphore_mem>>) src(%arg8 : memref<128x128xf32, #tpu.memory_space<vmem>>) dst(%dma_wait3A_44 : memref<128x128xf32, #tpu.memory_space<vmem_shared>>)
      tpu.yield
    }) : () -> ()
    %mul3A_10 = arith.constant 640 : i32
    %mul3A_11 = arith.muli %arg1, %mul3A_10 : i32
    %add3A_12 = arith.constant 128 : i32
    %add3A_13 = arith.addi %mul3A_11, %add3A_12 : i32
    "tpu.region"() ({
      %run_scoped3A = tpu.sem_alloc : memref<!tpu.dma_semaphore, #tpu.memory_space<semaphore_mem>>
      %dma_start3A = arith.constant 0 : i32
      %dma_start3A_39 = tpu.memref_slice %arg7[%add3A_13, %dma_start3A] : memref<10240x128xf32, #tpu.memory_space<vmem_shared>> -> memref<128x128xf32, #tpu.memory_space<vmem_shared>>
      %dma_start3A_40 = arith.constant 0 : i32
      %dma_start3A_41 = tpu.memref_slice %arg7[%add3A_13, %dma_start3A_40] : memref<10240x128xf32, #tpu.memory_space<vmem_shared>> -> memref<128x128xf32, #tpu.memory_space<vmem_shared>>
      tpu.enqueue_dma source(%arg8 : memref<128x128xf32, #tpu.memory_space<vmem>>) target(%dma_start3A_41 : memref<128x128xf32, #tpu.memory_space<vmem_shared>>) target_semaphore(%run_scoped3A : memref<!tpu.dma_semaphore, #tpu.memory_space<semaphore_mem>>)
      %dma_wait3A = arith.constant 0 : i32
      %dma_wait3A_42 = tpu.memref_slice %arg7[%add3A_13, %dma_wait3A] : memref<10240x128xf32, #tpu.memory_space<vmem_shared>> -> memref<128x128xf32, #tpu.memory_space<vmem_shared>>
      %dma_wait3A_43 = arith.constant 0 : i32
      %dma_wait3A_44 = tpu.memref_slice %arg7[%add3A_13, %dma_wait3A_43] : memref<10240x128xf32, #tpu.memory_space<vmem_shared>> -> memref<128x128xf32, #tpu.memory_space<vmem_shared>>
      tpu.wait_dma2 semaphore(%run_scoped3A : memref<!tpu.dma_semaphore, #tpu.memory_space<semaphore_mem>>) src(%arg8 : memref<128x128xf32, #tpu.memory_space<vmem>>) dst(%dma_wait3A_44 : memref<128x128xf32, #tpu.memory_space<vmem_shared>>)
      tpu.yield
    }) : () -> ()
    %mul3A_14 = arith.constant 640 : i32
    %mul3A_15 = arith.muli %arg1, %mul3A_14 : i32
    %add3A_16 = arith.constant 256 : i32
    %add3A_17 = arith.addi %mul3A_15, %add3A_16 : i32
    "tpu.region"() ({
      %run_scoped3A = tpu.sem_alloc : memref<!tpu.dma_semaphore, #tpu.memory_space<semaphore_mem>>
      %dma_start3A = arith.constant 0 : i32
      %dma_start3A_39 = tpu.memref_slice %arg7[%add3A_17, %dma_start3A] : memref<10240x128xf32, #tpu.memory_space<vmem_shared>> -> memref<128x128xf32, #tpu.memory_space<vmem_shared>>
      %dma_start3A_40 = arith.constant 0 : i32
      %dma_start3A_41 = tpu.memref_slice %arg7[%add3A_17, %dma_start3A_40] : memref<10240x128xf32, #tpu.memory_space<vmem_shared>> -> memref<128x128xf32, #tpu.memory_space<vmem_shared>>
      tpu.enqueue_dma source(%arg8 : memref<128x128xf32, #tpu.memory_space<vmem>>) target(%dma_start3A_41 : memref<128x128xf32, #tpu.memory_space<vmem_shared>>) target_semaphore(%run_scoped3A : memref<!tpu.dma_semaphore, #tpu.memory_space<semaphore_mem>>)
      %dma_wait3A = arith.constant 0 : i32
      %dma_wait3A_42 = tpu.memref_slice %arg7[%add3A_17, %dma_wait3A] : memref<10240x128xf32, #tpu.memory_space<vmem_shared>> -> memref<128x128xf32, #tpu.memory_space<vmem_shared>>
      %dma_wait3A_43 = arith.constant 0 : i32
      %dma_wait3A_44 = tpu.memref_slice %arg7[%add3A_17, %dma_wait3A_43] : memref<10240x128xf32, #tpu.memory_space<vmem_shared>> -> memref<128x128xf32, #tpu.memory_space<vmem_shared>>
      tpu.wait_dma2 semaphore(%run_scoped3A : memref<!tpu.dma_semaphore, #tpu.memory_space<semaphore_mem>>) src(%arg8 : memref<128x128xf32, #tpu.memory_space<vmem>>) dst(%dma_wait3A_44 : memref<128x128xf32, #tpu.memory_space<vmem_shared>>)
      tpu.yield
    }) : () -> ()
    %mul3A_18 = arith.constant 640 : i32
    %mul3A_19 = arith.muli %arg1, %mul3A_18 : i32
    %add3A_20 = arith.constant 384 : i32
    %add3A_21 = arith.addi %mul3A_19, %add3A_20 : i32
    "tpu.region"() ({
      %run_scoped3A = tpu.sem_alloc : memref<!tpu.dma_semaphore, #tpu.memory_space<semaphore_mem>>
      %dma_start3A = arith.constant 0 : i32
      %dma_start3A_39 = tpu.memref_slice %arg7[%add3A_21, %dma_start3A] : memref<10240x128xf32, #tpu.memory_space<vmem_shared>> -> memref<128x128xf32, #tpu.memory_space<vmem_shared>>
      %dma_start3A_40 = arith.constant 0 : i32
      %dma_start3A_41 = tpu.memref_slice %arg7[%add3A_21, %dma_start3A_40] : memref<10240x128xf32, #tpu.memory_space<vmem_shared>> -> memref<128x128xf32, #tpu.memory_space<vmem_shared>>
      tpu.enqueue_dma source(%arg8 : memref<128x128xf32, #tpu.memory_space<vmem>>) target(%dma_start3A_41 : memref<128x128xf32, #tpu.memory_space<vmem_shared>>) target_semaphore(%run_scoped3A : memref<!tpu.dma_semaphore, #tpu.memory_space<semaphore_mem>>)
      %dma_wait3A = arith.constant 0 : i32
      %dma_wait3A_42 = tpu.memref_slice %arg7[%add3A_21, %dma_wait3A] : memref<10240x128xf32, #tpu.memory_space<vmem_shared>> -> memref<128x128xf32, #tpu.memory_space<vmem_shared>>
      %dma_wait3A_43 = arith.constant 0 : i32
      %dma_wait3A_44 = tpu.memref_slice %arg7[%add3A_21, %dma_wait3A_43] : memref<10240x128xf32, #tpu.memory_space<vmem_shared>> -> memref<128x128xf32, #tpu.memory_space<vmem_shared>>
      tpu.wait_dma2 semaphore(%run_scoped3A : memref<!tpu.dma_semaphore, #tpu.memory_space<semaphore_mem>>) src(%arg8 : memref<128x128xf32, #tpu.memory_space<vmem>>) dst(%dma_wait3A_44 : memref<128x128xf32, #tpu.memory_space<vmem_shared>>)
      tpu.yield
    }) : () -> ()
    %mul3A_22 = arith.constant 640 : i32
    %mul3A_23 = arith.muli %arg1, %mul3A_22 : i32
    %add3A_24 = arith.constant 512 : i32
    %add3A_25 = arith.addi %mul3A_23, %add3A_24 : i32
    "tpu.region"() ({
      %run_scoped3A = tpu.sem_alloc : memref<!tpu.dma_semaphore, #tpu.memory_space<semaphore_mem>>
      %dma_start3A = arith.constant 0 : i32
      %dma_start3A_39 = tpu.memref_slice %arg7[%add3A_25, %dma_start3A] : memref<10240x128xf32, #tpu.memory_space<vmem_shared>> -> memref<128x128xf32, #tpu.memory_space<vmem_shared>>
      %dma_start3A_40 = arith.constant 0 : i32
      %dma_start3A_41 = tpu.memref_slice %arg7[%add3A_25, %dma_start3A_40] : memref<10240x128xf32, #tpu.memory_space<vmem_shared>> -> memref<128x128xf32, #tpu.memory_space<vmem_shared>>
      tpu.enqueue_dma source(%arg8 : memref<128x128xf32, #tpu.memory_space<vmem>>) target(%dma_start3A_41 : memref<128x128xf32, #tpu.memory_space<vmem_shared>>) target_semaphore(%run_scoped3A : memref<!tpu.dma_semaphore, #tpu.memory_space<semaphore_mem>>)
      %dma_wait3A = arith.constant 0 : i32
      %dma_wait3A_42 = tpu.memref_slice %arg7[%add3A_25, %dma_wait3A] : memref<10240x128xf32, #tpu.memory_space<vmem_shared>> -> memref<128x128xf32, #tpu.memory_space<vmem_shared>>
      %dma_wait3A_43 = arith.constant 0 : i32
      %dma_wait3A_44 = tpu.memref_slice %arg7[%add3A_25, %dma_wait3A_43] : memref<10240x128xf32, #tpu.memory_space<vmem_shared>> -> memref<128x128xf32, #tpu.memory_space<vmem_shared>>
      tpu.wait_dma2 semaphore(%run_scoped3A : memref<!tpu.dma_semaphore, #tpu.memory_space<semaphore_mem>>) src(%arg8 : memref<128x128xf32, #tpu.memory_space<vmem>>) dst(%dma_wait3A_44 : memref<128x128xf32, #tpu.memory_space<vmem_shared>>)
      tpu.yield
    }) : () -> ()
    %barrier3A = arith.constant 0 : index
    tpu.barrier barrier_id(%barrier3A)
    %mul3A_26 = arith.constant 10112 : i32
    %mul3A_27 = arith.muli %add3A, %mul3A_26 : i32
    %scan3A_28 = arith.constant 0 : i32
    %scan3A_29 = arith.constant 0 : i32
    %scan3A_30 = arith.constant 79 : i32
    %scan3A_31 = arith.addi %scan3A_29, %scan3A_30 : i32
    %scan3A_32 = arith.constant 1 : i32
    scf.for %scan3A_39 = %scan3A_29 to %scan3A_31 step %scan3A_32  : i32 {
      %mul3A_40 = arith.constant 128 : i32
      %mul3A_41 = arith.muli %scan3A_39, %mul3A_40 : i32
      %add3A_42 = arith.addi %mul3A_27, %mul3A_41 : i32
      "tpu.region"() ({
        %run_scoped3A = tpu.sem_alloc : memref<!tpu.dma_semaphore, #tpu.memory_space<semaphore_mem>>
        %dma_start3A_53 = tpu.memref_slice %arg3[%add3A_42] : memref<323584xi32, #tpu.memory_space<hbm>> -> memref<128xi32, #tpu.memory_space<hbm>>
        %dma_start3A_54 = tpu.memref_slice %arg3[%add3A_42] : memref<323584xi32, #tpu.memory_space<hbm>> -> memref<128xi32, #tpu.memory_space<hbm>>
        tpu.enqueue_dma source(%dma_start3A_54 : memref<128xi32, #tpu.memory_space<hbm>>) target(%arg9 : memref<128xi32, #tpu.memory_space<vmem>>) target_semaphore(%run_scoped3A : memref<!tpu.dma_semaphore, #tpu.memory_space<semaphore_mem>>)
        %dma_wait3A_55 = tpu.memref_slice %arg3[%add3A_42] : memref<323584xi32, #tpu.memory_space<hbm>> -> memref<128xi32, #tpu.memory_space<hbm>>
        %dma_wait3A_56 = tpu.memref_slice %arg3[%add3A_42] : memref<323584xi32, #tpu.memory_space<hbm>> -> memref<128xi32, #tpu.memory_space<hbm>>
        tpu.wait_dma2 semaphore(%run_scoped3A : memref<!tpu.dma_semaphore, #tpu.memory_space<semaphore_mem>>) src(%dma_wait3A_56 : memref<128xi32, #tpu.memory_space<hbm>>) dst(%arg9 : memref<128xi32, #tpu.memory_space<vmem>>)
        tpu.yield
      }) : () -> ()
      "tpu.region"() ({
        %run_scoped3A = tpu.sem_alloc : memref<!tpu.dma_semaphore, #tpu.memory_space<semaphore_mem>>
        %dma_start3A_53 = tpu.memref_slice %arg4[%add3A_42] : memref<323584xi32, #tpu.memory_space<hbm>> -> memref<128xi32, #tpu.memory_space<hbm>>
        %dma_start3A_54 = tpu.memref_slice %arg4[%add3A_42] : memref<323584xi32, #tpu.memory_space<hbm>> -> memref<128xi32, #tpu.memory_space<hbm>>
        tpu.enqueue_dma source(%dma_start3A_54 : memref<128xi32, #tpu.memory_space<hbm>>) target(%arg10 : memref<128xi32, #tpu.memory_space<vmem>>) target_semaphore(%run_scoped3A : memref<!tpu.dma_semaphore, #tpu.memory_space<semaphore_mem>>)
        %dma_wait3A_55 = tpu.memref_slice %arg4[%add3A_42] : memref<323584xi32, #tpu.memory_space<hbm>> -> memref<128xi32, #tpu.memory_space<hbm>>
        %dma_wait3A_56 = tpu.memref_slice %arg4[%add3A_42] : memref<323584xi32, #tpu.memory_space<hbm>> -> memref<128xi32, #tpu.memory_space<hbm>>
        tpu.wait_dma2 semaphore(%run_scoped3A : memref<!tpu.dma_semaphore, #tpu.memory_space<semaphore_mem>>) src(%dma_wait3A_56 : memref<128xi32, #tpu.memory_space<hbm>>) dst(%arg10 : memref<128xi32, #tpu.memory_space<vmem>>)
        tpu.yield
      }) : () -> ()
      "tpu.region"() ({
        %run_scoped3A = tpu.sem_alloc : memref<!tpu.dma_semaphore, #tpu.memory_space<semaphore_mem>>
        %dma_start3A_53 = tpu.memref_slice %arg5[%add3A_42] : memref<323584xf32, #tpu.memory_space<hbm>> -> memref<128xf32, #tpu.memory_space<hbm>>
        %dma_start3A_54 = tpu.memref_slice %arg5[%add3A_42] : memref<323584xf32, #tpu.memory_space<hbm>> -> memref<128xf32, #tpu.memory_space<hbm>>
        tpu.enqueue_dma source(%dma_start3A_54 : memref<128xf32, #tpu.memory_space<hbm>>) target(%arg11 : memref<128xf32, #tpu.memory_space<vmem>>) target_semaphore(%run_scoped3A : memref<!tpu.dma_semaphore, #tpu.memory_space<semaphore_mem>>)
        %dma_wait3A_55 = tpu.memref_slice %arg5[%add3A_42] : memref<323584xf32, #tpu.memory_space<hbm>> -> memref<128xf32, #tpu.memory_space<hbm>>
        %dma_wait3A_56 = tpu.memref_slice %arg5[%add3A_42] : memref<323584xf32, #tpu.memory_space<hbm>> -> memref<128xf32, #tpu.memory_space<hbm>>
        tpu.wait_dma2 semaphore(%run_scoped3A : memref<!tpu.dma_semaphore, #tpu.memory_space<semaphore_mem>>) src(%dma_wait3A_56 : memref<128xf32, #tpu.memory_space<hbm>>) dst(%arg11 : memref<128xf32, #tpu.memory_space<vmem>>)
        tpu.yield
      }) : () -> ()
      %dma_start3A = arith.constant 0 : i32
      %dma_start3A_43 = arith.constant 0 : i32
      %dma_start3A_44 = tpu.memref_slice %arg2[%dma_start3A, %dma_start3A_43] : memref<10240x128xf32, #tpu.memory_space<hbm>> -> memref<10240x128xf32, #tpu.memory_space<hbm>>
      tpu.enqueue_indirect_dma source(%dma_start3A_44 : memref<10240x128xf32, #tpu.memory_space<hbm>>) target(%arg8 : memref<128x128xf32, #tpu.memory_space<vmem>>) offsets(%arg9 : memref<128xi32, #tpu.memory_space<vmem>>) semaphore(%arg12 : memref<!tpu.dma_semaphore, #tpu.memory_space<semaphore_mem>>)
      %dma_wait3A = arith.constant 0 : i32
      %dma_wait3A_45 = arith.constant 0 : i32
      %dma_wait3A_46 = tpu.memref_slice %arg2[%dma_wait3A, %dma_wait3A_45] : memref<10240x128xf32, #tpu.memory_space<hbm>> -> memref<10240x128xf32, #tpu.memory_space<hbm>>
      tpu.wait_indirect_dma semaphore(%arg12 : memref<!tpu.dma_semaphore, #tpu.memory_space<semaphore_mem>>) src(%dma_wait3A_46 : memref<10240x128xf32, #tpu.memory_space<hbm>>) dst(%arg8 : memref<128x128xf32, #tpu.memory_space<vmem>>)
      %scan3A_47 = arith.constant 0 : i32
      %scan3A_48 = arith.constant 0 : i32
      %scan3A_49 = arith.constant 128 : i32
      %scan3A_50 = arith.addi %scan3A_48, %scan3A_49 : i32
      %scan3A_51 = arith.constant 1 : i32
      scf.for %scan3A_53 = %scan3A_48 to %scan3A_50 step %scan3A_51  : i32 {
        %broadcast_in_dim3A = vector.broadcast %scan3A_53 : i32 to vector<16xi32>
        %gather3A = tpu.vector_load_idx %arg11[%broadcast_in_dim3A] : memref<128xf32, #tpu.memory_space<vmem>>[vector<16xi32>], vector<16xf32>,
        %get3A = arith.index_cast %scan3A_53 : i32 to index
        %get3A_54 = arith.constant 0 : index
        %get3A_55 = tpu.vector_load %arg8[%get3A, %get3A_54] {strides = array<i32>} : memref<128x128xf32, #tpu.memory_space<vmem>>, vector<16xf32>,
        %mul3A_56 = arith.mulf %get3A_55, %gather3A : vector<16xf32>
        %swap3A = arith.index_cast %scan3A_53 : i32 to index
        %swap3A_57 = arith.constant 0 : index
        %swap3A_58 = tpu.vector_load %arg8[%swap3A, %swap3A_57] {strides = array<i32>} : memref<128x128xf32, #tpu.memory_space<vmem>>, vector<16xf32>,
        tpu.vector_store %arg8[%swap3A, %swap3A_57], %mul3A_56 {strides = array<i32>} : memref<128x128xf32, #tpu.memory_space<vmem>>, vector<16xf32>,
        %get3A_59 = arith.index_cast %scan3A_53 : i32 to index
        %get3A_60 = arith.constant 16 : index
        %get3A_61 = tpu.vector_load %arg8[%get3A_59, %get3A_60] {strides = array<i32>} : memref<128x128xf32, #tpu.memory_space<vmem>>, vector<16xf32>,
        %mul3A_62 = arith.mulf %get3A_61, %gather3A : vector<16xf32>
        %swap3A_63 = arith.index_cast %scan3A_53 : i32 to index
        %swap3A_64 = arith.constant 16 : index
        %swap3A_65 = tpu.vector_load %arg8[%swap3A_63, %swap3A_64] {strides = array<i32>} : memref<128x128xf32, #tpu.memory_space<vmem>>, vector<16xf32>,
        tpu.vector_store %arg8[%swap3A_63, %swap3A_64], %mul3A_62 {strides = array<i32>} : memref<128x128xf32, #tpu.memory_space<vmem>>, vector<16xf32>,
        %get3A_66 = arith.index_cast %scan3A_53 : i32 to index
        %get3A_67 = arith.constant 32 : index
        %get3A_68 = tpu.vector_load %arg8[%get3A_66, %get3A_67] {strides = array<i32>} : memref<128x128xf32, #tpu.memory_space<vmem>>, vector<16xf32>,
        %mul3A_69 = arith.mulf %get3A_68, %gather3A : vector<16xf32>
        %swap3A_70 = arith.index_cast %scan3A_53 : i32 to index
        %swap3A_71 = arith.constant 32 : index
        %swap3A_72 = tpu.vector_load %arg8[%swap3A_70, %swap3A_71] {strides = array<i32>} : memref<128x128xf32, #tpu.memory_space<vmem>>, vector<16xf32>,
        tpu.vector_store %arg8[%swap3A_70, %swap3A_71], %mul3A_69 {strides = array<i32>} : memref<128x128xf32, #tpu.memory_space<vmem>>, vector<16xf32>,
        %get3A_73 = arith.index_cast %scan3A_53 : i32 to index
        %get3A_74 = arith.constant 48 : index
        %get3A_75 = tpu.vector_load %arg8[%get3A_73, %get3A_74] {strides = array<i32>} : memref<128x128xf32, #tpu.memory_space<vmem>>, vector<16xf32>,
        %mul3A_76 = arith.mulf %get3A_75, %gather3A : vector<16xf32>
        %swap3A_77 = arith.index_cast %scan3A_53 : i32 to index
        %swap3A_78 = arith.constant 48 : index
        %swap3A_79 = tpu.vector_load %arg8[%swap3A_77, %swap3A_78] {strides = array<i32>} : memref<128x128xf32, #tpu.memory_space<vmem>>, vector<16xf32>,
        tpu.vector_store %arg8[%swap3A_77, %swap3A_78], %mul3A_76 {strides = array<i32>} : memref<128x128xf32, #tpu.memory_space<vmem>>, vector<16xf32>,
        %get3A_80 = arith.index_cast %scan3A_53 : i32 to index
        %get3A_81 = arith.constant 64 : index
        %get3A_82 = tpu.vector_load %arg8[%get3A_80, %get3A_81] {strides = array<i32>} : memref<128x128xf32, #tpu.memory_space<vmem>>, vector<16xf32>,
        %mul3A_83 = arith.mulf %get3A_82, %gather3A : vector<16xf32>
        %swap3A_84 = arith.index_cast %scan3A_53 : i32 to index
        %swap3A_85 = arith.constant 64 : index
        %swap3A_86 = tpu.vector_load %arg8[%swap3A_84, %swap3A_85] {strides = array<i32>} : memref<128x128xf32, #tpu.memory_space<vmem>>, vector<16xf32>,
        tpu.vector_store %arg8[%swap3A_84, %swap3A_85], %mul3A_83 {strides = array<i32>} : memref<128x128xf32, #tpu.memory_space<vmem>>, vector<16xf32>,
        %get3A_87 = arith.index_cast %scan3A_53 : i32 to index
        %get3A_88 = arith.constant 80 : index
        %get3A_89 = tpu.vector_load %arg8[%get3A_87, %get3A_88] {strides = array<i32>} : memref<128x128xf32, #tpu.memory_space<vmem>>, vector<16xf32>,
        %mul3A_90 = arith.mulf %get3A_89, %gather3A : vector<16xf32>
        %swap3A_91 = arith.index_cast %scan3A_53 : i32 to index
        %swap3A_92 = arith.constant 80 : index
        %swap3A_93 = tpu.vector_load %arg8[%swap3A_91, %swap3A_92] {strides = array<i32>} : memref<128x128xf32, #tpu.memory_space<vmem>>, vector<16xf32>,
        tpu.vector_store %arg8[%swap3A_91, %swap3A_92], %mul3A_90 {strides = array<i32>} : memref<128x128xf32, #tpu.memory_space<vmem>>, vector<16xf32>,
        %get3A_94 = arith.index_cast %scan3A_53 : i32 to index
        %get3A_95 = arith.constant 96 : index
        %get3A_96 = tpu.vector_load %arg8[%get3A_94, %get3A_95] {strides = array<i32>} : memref<128x128xf32, #tpu.memory_space<vmem>>, vector<16xf32>,
        %mul3A_97 = arith.mulf %get3A_96, %gather3A : vector<16xf32>
        %swap3A_98 = arith.index_cast %scan3A_53 : i32 to index
        %swap3A_99 = arith.constant 96 : index
        %swap3A_100 = tpu.vector_load %arg8[%swap3A_98, %swap3A_99] {strides = array<i32>} : memref<128x128xf32, #tpu.memory_space<vmem>>, vector<16xf32>,
        tpu.vector_store %arg8[%swap3A_98, %swap3A_99], %mul3A_97 {strides = array<i32>} : memref<128x128xf32, #tpu.memory_space<vmem>>, vector<16xf32>,
        %get3A_101 = arith.index_cast %scan3A_53 : i32 to index
        %get3A_102 = arith.constant 112 : index
        %get3A_103 = tpu.vector_load %arg8[%get3A_101, %get3A_102] {strides = array<i32>} : memref<128x128xf32, #tpu.memory_space<vmem>>, vector<16xf32>,
        %mul3A_104 = arith.mulf %get3A_103, %gather3A : vector<16xf32>
        %swap3A_105 = arith.index_cast %scan3A_53 : i32 to index
        %swap3A_106 = arith.constant 112 : index
        %swap3A_107 = tpu.vector_load %arg8[%swap3A_105, %swap3A_106] {strides = array<i32>} : memref<128x128xf32, #tpu.memory_space<vmem>>, vector<16xf32>,
        tpu.vector_store %arg8[%swap3A_105, %swap3A_106], %mul3A_104 {strides = array<i32>} : memref<128x128xf32, #tpu.memory_space<vmem>>, vector<16xf32>,
      }
      %scan3A_52 = arith.constant 128 : i32
      "tpu.region"() ({
        %run_scoped3A = tpu.sem_alloc : memref<!tpu.dma_semaphore, #tpu.memory_space<semaphore_mem>>
        %dma_start3A_53 = arith.constant 0 : i32
        %dma_start3A_54 = arith.constant 0 : i32
        %dma_start3A_55 = tpu.memref_slice %arg7[%dma_start3A_53, %dma_start3A_54] : memref<10240x128xf32, #tpu.memory_space<vmem_shared>> -> memref<10240x128xf32, #tpu.memory_space<vmem_shared>>
        tpu.enqueue_indirect_dma source(%arg8 : memref<128x128xf32, #tpu.memory_space<vmem>>) target(%dma_start3A_55 : memref<10240x128xf32, #tpu.memory_space<vmem_shared>>) offsets(%arg10 : memref<128xi32, #tpu.memory_space<vmem>>) semaphore(%run_scoped3A : memref<!tpu.dma_semaphore, #tpu.memory_space<semaphore_mem>>) {add = true}
        %dma_wait3A_56 = arith.constant 0 : i32
        %dma_wait3A_57 = arith.constant 0 : i32
        %dma_wait3A_58 = tpu.memref_slice %arg7[%dma_wait3A_56, %dma_wait3A_57] : memref<10240x128xf32, #tpu.memory_space<vmem_shared>> -> memref<10240x128xf32, #tpu.memory_space<vmem_shared>>
        tpu.wait_indirect_dma semaphore(%run_scoped3A : memref<!tpu.dma_semaphore, #tpu.memory_space<semaphore_mem>>) src(%arg8 : memref<128x128xf32, #tpu.memory_space<vmem>>) dst(%dma_wait3A_58 : memref<10240x128xf32, #tpu.memory_space<vmem_shared>>)
        tpu.yield
      }) : () -> ()
    }
    %scan3A_33 = arith.constant 79 : i32
    %barrier3A_34 = arith.constant 0 : index
    tpu.barrier barrier_id(%barrier3A_34)
    %mul3A_35 = arith.constant 640 : i32
    %mul3A_36 = arith.muli %arg1, %mul3A_35 : i32
    %mul3A_37 = arith.constant 640 : i32
    %mul3A_38 = arith.muli %arg1, %mul3A_37 : i32
    "tpu.region"() ({
      %run_scoped3A = tpu.sem_alloc : memref<!tpu.dma_semaphore, #tpu.memory_space<semaphore_mem>>
      %dma_start3A = arith.constant 0 : i32
      %dma_start3A_39 = tpu.memref_slice %arg6[%arg0, %mul3A_38, %dma_start3A] : memref<2x10240x128xf32, #tpu.memory_space<hbm>> -> memref<1x640x128xf32, #tpu.memory_space<hbm>>
      %dma_start3A_40 = tpu.memref_squeeze %dma_start3A_39 : memref<1x640x128xf32, #tpu.memory_space<hbm>> -> memref<640x128xf32, #tpu.memory_space<hbm>>
      %dma_start3A_41 = arith.constant 0 : i32
      %dma_start3A_42 = tpu.memref_slice %arg7[%mul3A_36, %dma_start3A_41] : memref<10240x128xf32, #tpu.memory_space<vmem_shared>> -> memref<640x128xf32, #tpu.memory_space<vmem_shared>>
      tpu.enqueue_dma source(%dma_start3A_42 : memref<640x128xf32, #tpu.memory_space<vmem_shared>>) target(%dma_start3A_40 : memref<640x128xf32, #tpu.memory_space<hbm>>) target_semaphore(%run_scoped3A : memref<!tpu.dma_semaphore, #tpu.memory_space<semaphore_mem>>)
      %dma_wait3A = arith.constant 0 : i32
      %dma_wait3A_43 = tpu.memref_slice %arg6[%arg0, %mul3A_38, %dma_wait3A] : memref<2x10240x128xf32, #tpu.memory_space<hbm>> -> memref<1x640x128xf32, #tpu.memory_space<hbm>>
      %dma_wait3A_44 = tpu.memref_squeeze %dma_wait3A_43 : memref<1x640x128xf32, #tpu.memory_space<hbm>> -> memref<640x128xf32, #tpu.memory_space<hbm>>
      %dma_wait3A_45 = arith.constant 0 : i32
      %dma_wait3A_46 = tpu.memref_slice %arg7[%mul3A_36, %dma_wait3A_45] : memref<10240x128xf32, #tpu.memory_space<vmem_shared>> -> memref<640x128xf32, #tpu.memory_space<vmem_shared>>
      tpu.wait_dma2 semaphore(%run_scoped3A : memref<!tpu.dma_semaphore, #tpu.memory_space<semaphore_mem>>) src(%dma_wait3A_46 : memref<640x128xf32, #tpu.memory_space<vmem_shared>>) dst(%dma_wait3A_44 : memref<640x128xf32, #tpu.memory_space<hbm>>)
      tpu.yield
    }) : () -> ()
    return
  }
}

module attributes {stable_mosaic.version = 14 : i64} {
  func.func @_tc_prep_body(%arg0: i32, %arg1: memref<32x1024xf32, #tpu.memory_space<vmem>>, %arg2: memref<1024x128xf32, #tpu.memory_space<vmem>>, %arg3: memref<128x128xf32, #tpu.memory_space<vmem>>, %arg4: memref<1024x128xf32, #tpu.memory_space<vmem>>, %arg5: memref<1024x128xf32, #tpu.memory_space<vmem>>) attributes {dimension_semantics = [#tpu.dimension_semantics<arbitrary>], iteration_bounds = array<i64: 10>, scalar_prefetch = 0 : i64, scratch_operands = 0 : i64, tpu.core_type = #tpu.core_type<tc>, window_params = [{transform_indices = @transform_0, window_bounds = array<i64: 32, 1024>}, {transform_indices = @transform_1, window_bounds = array<i64: 1024, 128>}, {pipeline_mode = #tpu.pipeline_mode<synchronous>, transform_indices = @transform_2, window_bounds = array<i64: 128, 128>}, {transform_indices = @transform_3, window_bounds = array<i64: 1024, 128>}, {transform_indices = @transform_4, window_bounds = array<i64: 1024, 128>}]} {
    %get3A = arith.constant 0 : index
    %get3A_0 = arith.constant 0 : index
    %get3A_1 = vector.load %arg1[%get3A, %get3A_0] : memref<32x1024xf32, #tpu.memory_space<vmem>>, vector<32x1024xf32>
    %reduce_sum3A = arith.constant dense<0.000000e+00> : vector<1024xf32>
    %reduce_sum3A_2 = vector.multi_reduction <add>, %get3A_1, %reduce_sum3A [0] : vector<32x1024xf32> to vector<1024xf32>
    %add3A = arith.constant 1.000000e+00 : f32
    %add3A_3 = vector.broadcast %add3A : f32 to vector<1024xf32>
    %add3A_4 = arith.addf %reduce_sum3A_2, %add3A_3 : vector<1024xf32>
    %gt3A = arith.constant 0.000000e+00 : f32
    %gt3A_5 = vector.broadcast %gt3A : f32 to vector<1024xf32>
    %gt3A_6 = arith.cmpf ogt, %add3A_4, %gt3A_5 : vector<1024xf32>
    %max3A = arith.constant 9.99999996E-13 : f32
    %max3A_7 = vector.broadcast %max3A : f32 to vector<1024xf32>
    %max3A_8 = arith.maximumf %add3A_4, %max3A_7 : vector<1024xf32>
    %rsqrt3A = math.rsqrt %max3A_8 : vector<1024xf32>
    %jit3A = arith.constant 0.000000e+00 : f32
    %broadcast_in_dim3A = vector.broadcast %jit3A : f32 to vector<1024xf32>
    %select_n3A = arith.select %gt3A_6, %rsqrt3A, %broadcast_in_dim3A : vector<1024xi1>, vector<1024xf32>
    %get3A_9 = arith.constant 0 : index
    %get3A_10 = arith.constant 0 : index
    %get3A_11 = vector.load %arg2[%get3A_9, %get3A_10] : memref<1024x128xf32, #tpu.memory_space<vmem>>, vector<1024x128xf32>
    %get3A_12 = arith.constant 0 : index
    %get3A_13 = arith.constant 0 : index
    %get3A_14 = vector.load %arg3[%get3A_12, %get3A_13] : memref<128x128xf32, #tpu.memory_space<vmem>>, vector<128x128xf32>
    %dot_general3A = arith.constant dense<0.000000e+00> : vector<1024x128xf32>
    %dot_general3A_15 = tpu.matmul %get3A_11, %get3A_14, %dot_general3A {dimension_numbers = #tpu.dot_dimension_numbers<[1], [0], [0], [1], [0, 0, 1, 1], [], []>, precision = #tpu.contract_precision<fp32>, transpose_lhs_hint = false} : vector<1024x128xf32>, vector<128x128xf32>, vector<1024x128xf32> -> vector<1024x128xf32>
    %broadcast_in_dim3A_16 = vector.shape_cast %select_n3A : vector<1024xf32> to vector<1024x1xf32>
    %broadcast_in_dim3A_17 = vector.shape_cast %broadcast_in_dim3A_16 : vector<1024x1xf32> to vector<1024x1xf32>
    %broadcast_in_dim3A_18 = vector.broadcast %broadcast_in_dim3A_17 : vector<1024x1xf32> to vector<1024x128xf32>
    %mul3A = arith.mulf %dot_general3A_15, %broadcast_in_dim3A_18 : vector<1024x128xf32>
    %swap3A = arith.constant 0 : index
    %swap3A_19 = arith.constant 0 : index
    %swap3A_20 = vector.load %arg4[%swap3A, %swap3A_19] : memref<1024x128xf32, #tpu.memory_space<vmem>>, vector<1024x128xf32>
    tpu.vector_store %arg4[%swap3A, %swap3A_19], %mul3A {strides = array<i32>} : memref<1024x128xf32, #tpu.memory_space<vmem>>, vector<1024x128xf32>,
    %swap3A_21 = arith.constant 0 : index
    %swap3A_22 = arith.constant 0 : index
    %swap3A_23 = vector.load %arg5[%swap3A_21, %swap3A_22] : memref<1024x128xf32, #tpu.memory_space<vmem>>, vector<1024x128xf32>
    tpu.vector_store %arg5[%swap3A_21, %swap3A_22], %broadcast_in_dim3A_18 {strides = array<i32>} : memref<1024x128xf32, #tpu.memory_space<vmem>>, vector<1024x128xf32>,
    return
  }
  func.func @transform_0(%arg0: i32) -> (i32, i32) {
    %c0_i32 = arith.constant 0 : i32
    %c0_i32_0 = arith.constant 0 : i32
    return %c0_i32, %arg0 : i32, i32
  }
  func.func @transform_1(%arg0: i32) -> (i32, i32) {
    %c0_i32 = arith.constant 0 : i32
    %c0_i32_0 = arith.constant 0 : i32
    return %arg0, %c0_i32 : i32, i32
  }
  func.func @transform_2(%arg0: i32) -> (i32, i32) {
    %c0_i32 = arith.constant 0 : i32
    %c0_i32_0 = arith.constant 0 : i32
    %c0_i32_1 = arith.constant 0 : i32
    return %c0_i32, %c0_i32_0 : i32, i32
  }
  func.func @transform_3(%arg0: i32) -> (i32, i32) {
    %c0_i32 = arith.constant 0 : i32
    %c0_i32_0 = arith.constant 0 : i32
    return %arg0, %c0_i32 : i32, i32
  }
  func.func @transform_4(%arg0: i32) -> (i32, i32) {
    %c0_i32 = arith.constant 0 : i32
    %c0_i32_0 = arith.constant 0 : i32
    return %arg0, %c0_i32 : i32, i32
  }
}

module attributes {stable_mosaic.version = 14 : i64} {
  func.func @_tc_mid_body(%arg0: i32, %arg1: memref<2x1024x128xf32, #tpu.memory_space<vmem>>, %arg2: memref<1024x128xf32, #tpu.memory_space<vmem>>, %arg3: memref<1024x128xf32, #tpu.memory_space<vmem>>, %arg4: memref<1x128xf32, #tpu.memory_space<vmem>>, %arg5: memref<128x128xf32, #tpu.memory_space<vmem>>, %arg6: memref<1024x128xf32, #tpu.memory_space<vmem>>) attributes {dimension_semantics = [#tpu.dimension_semantics<arbitrary>], iteration_bounds = array<i64: 10>, scalar_prefetch = 0 : i64, scratch_operands = 0 : i64, tpu.core_type = #tpu.core_type<tc>, window_params = [{transform_indices = @transform_0, window_bounds = array<i64: 2, 1024, 128>}, {transform_indices = @transform_1, window_bounds = array<i64: 1024, 128>}, {transform_indices = @transform_2, window_bounds = array<i64: 1024, 128>}, {pipeline_mode = #tpu.pipeline_mode<synchronous>, transform_indices = @transform_3, window_bounds = array<i64: 1, 128>}, {pipeline_mode = #tpu.pipeline_mode<synchronous>, transform_indices = @transform_4, window_bounds = array<i64: 128, 128>}, {transform_indices = @transform_5, window_bounds = array<i64: 1024, 128>}]} {
    %get3A = arith.constant 0 : index
    %get3A_0 = arith.constant 0 : index
    %get3A_1 = arith.constant 0 : index
    %get3A_2 = vector.load %arg1[%get3A, %get3A_0, %get3A_1] : memref<2x1024x128xf32, #tpu.memory_space<vmem>>, vector<1x1024x128xf32>
    %get3A_3 = vector.shape_cast %get3A_2 : vector<1x1024x128xf32> to vector<1024x128xf32>
    %get3A_4 = arith.constant 1 : index
    %get3A_5 = arith.constant 0 : index
    %get3A_6 = arith.constant 0 : index
    %get3A_7 = vector.load %arg1[%get3A_4, %get3A_5, %get3A_6] : memref<2x1024x128xf32, #tpu.memory_space<vmem>>, vector<1x1024x128xf32>
    %get3A_8 = vector.shape_cast %get3A_7 : vector<1x1024x128xf32> to vector<1024x128xf32>
    %add3A = arith.addf %get3A_3, %get3A_8 : vector<1024x128xf32>
    %get3A_9 = arith.constant 0 : index
    %get3A_10 = arith.constant 0 : index
    %get3A_11 = vector.load %arg3[%get3A_9, %get3A_10] : memref<1024x128xf32, #tpu.memory_space<vmem>>, vector<1024x128xf32>
    %get3A_12 = arith.constant 0 : index
    %get3A_13 = arith.constant 0 : index
    %get3A_14 = vector.load %arg2[%get3A_12, %get3A_13] : memref<1024x128xf32, #tpu.memory_space<vmem>>, vector<1024x128xf32>
    %add3A_15 = arith.addf %add3A, %get3A_14 : vector<1024x128xf32>
    %mul3A = arith.mulf %get3A_11, %add3A_15 : vector<1024x128xf32>
    %get3A_16 = arith.constant 0 : index
    %get3A_17 = arith.constant 0 : index
    %get3A_18 = vector.load %arg4[%get3A_16, %get3A_17] : memref<1x128xf32, #tpu.memory_space<vmem>>, vector<1x128xf32>
    %add3A_19 = vector.broadcast %get3A_18 : vector<1x128xf32> to vector<1024x128xf32>
    %add3A_20 = arith.addf %mul3A, %add3A_19 : vector<1024x128xf32>
    %max3A = arith.constant 0.000000e+00 : f32
    %max3A_21 = vector.broadcast %max3A : f32 to vector<1024x128xf32>
    %max3A_22 = arith.maximumf %add3A_20, %max3A_21 : vector<1024x128xf32>
    %get3A_23 = arith.constant 0 : index
    %get3A_24 = arith.constant 0 : index
    %get3A_25 = vector.load %arg3[%get3A_23, %get3A_24] : memref<1024x128xf32, #tpu.memory_space<vmem>>, vector<1024x128xf32>
    %get3A_26 = arith.constant 0 : index
    %get3A_27 = arith.constant 0 : index
    %get3A_28 = vector.load %arg5[%get3A_26, %get3A_27] : memref<128x128xf32, #tpu.memory_space<vmem>>, vector<128x128xf32>
    %dot_general3A = arith.constant dense<0.000000e+00> : vector<1024x128xf32>
    %dot_general3A_29 = tpu.matmul %max3A_22, %get3A_28, %dot_general3A {dimension_numbers = #tpu.dot_dimension_numbers<[1], [0], [0], [1], [0, 0, 1, 1], [], []>, precision = #tpu.contract_precision<fp32>, transpose_lhs_hint = false} : vector<1024x128xf32>, vector<128x128xf32>, vector<1024x128xf32> -> vector<1024x128xf32>
    %mul3A_30 = arith.mulf %get3A_25, %dot_general3A_29 : vector<1024x128xf32>
    %swap3A = arith.constant 0 : index
    %swap3A_31 = arith.constant 0 : index
    %swap3A_32 = vector.load %arg6[%swap3A, %swap3A_31] : memref<1024x128xf32, #tpu.memory_space<vmem>>, vector<1024x128xf32>
    tpu.vector_store %arg6[%swap3A, %swap3A_31], %mul3A_30 {strides = array<i32>} : memref<1024x128xf32, #tpu.memory_space<vmem>>, vector<1024x128xf32>,
    return
  }
  func.func @transform_0(%arg0: i32) -> (i32, i32, i32) {
    %c0_i32 = arith.constant 0 : i32
    %c0_i32_0 = arith.constant 0 : i32
    %c0_i32_1 = arith.constant 0 : i32
    return %c0_i32, %arg0, %c0_i32_0 : i32, i32, i32
  }
  func.func @transform_1(%arg0: i32) -> (i32, i32) {
    %c0_i32 = arith.constant 0 : i32
    %c0_i32_0 = arith.constant 0 : i32
    return %arg0, %c0_i32 : i32, i32
  }
  func.func @transform_2(%arg0: i32) -> (i32, i32) {
    %c0_i32 = arith.constant 0 : i32
    %c0_i32_0 = arith.constant 0 : i32
    return %arg0, %c0_i32 : i32, i32
  }
  func.func @transform_3(%arg0: i32) -> (i32, i32) {
    %c0_i32 = arith.constant 0 : i32
    %c0_i32_0 = arith.constant 0 : i32
    %c0_i32_1 = arith.constant 0 : i32
    return %c0_i32, %c0_i32_0 : i32, i32
  }
  func.func @transform_4(%arg0: i32) -> (i32, i32) {
    %c0_i32 = arith.constant 0 : i32
    %c0_i32_0 = arith.constant 0 : i32
    %c0_i32_1 = arith.constant 0 : i32
    return %c0_i32, %c0_i32_0 : i32, i32
  }
  func.func @transform_5(%arg0: i32) -> (i32, i32) {
    %c0_i32 = arith.constant 0 : i32
    %c0_i32_0 = arith.constant 0 : i32
    return %arg0, %c0_i32 : i32, i32
  }
}

module attributes {stable_mosaic.version = 14 : i64} {
  func.func @_tc_final_body(%arg0: i32, %arg1: memref<2x1024x128xf32, #tpu.memory_space<vmem>>, %arg2: memref<1024x128xf32, #tpu.memory_space<vmem>>, %arg3: memref<1024x128xf32, #tpu.memory_space<vmem>>, %arg4: memref<1x128xf32, #tpu.memory_space<vmem>>, %arg5: memref<128x64xf32, #tpu.memory_space<vmem>>, %arg6: memref<1x64xf32, #tpu.memory_space<vmem>>, %arg7: memref<1024x64xf32, #tpu.memory_space<vmem>>) attributes {dimension_semantics = [#tpu.dimension_semantics<arbitrary>], iteration_bounds = array<i64: 10>, scalar_prefetch = 0 : i64, scratch_operands = 0 : i64, tpu.core_type = #tpu.core_type<tc>, window_params = [{transform_indices = @transform_0, window_bounds = array<i64: 2, 1024, 128>}, {transform_indices = @transform_1, window_bounds = array<i64: 1024, 128>}, {transform_indices = @transform_2, window_bounds = array<i64: 1024, 128>}, {pipeline_mode = #tpu.pipeline_mode<synchronous>, transform_indices = @transform_3, window_bounds = array<i64: 1, 128>}, {pipeline_mode = #tpu.pipeline_mode<synchronous>, transform_indices = @transform_4, window_bounds = array<i64: 128, 64>}, {pipeline_mode = #tpu.pipeline_mode<synchronous>, transform_indices = @transform_5, window_bounds = array<i64: 1, 64>}, {transform_indices = @transform_6, window_bounds = array<i64: 1024, 64>}]} {
    %get3A = arith.constant 0 : index
    %get3A_0 = arith.constant 0 : index
    %get3A_1 = arith.constant 0 : index
    %get3A_2 = vector.load %arg1[%get3A, %get3A_0, %get3A_1] : memref<2x1024x128xf32, #tpu.memory_space<vmem>>, vector<1x1024x128xf32>
    %get3A_3 = vector.shape_cast %get3A_2 : vector<1x1024x128xf32> to vector<1024x128xf32>
    %get3A_4 = arith.constant 1 : index
    %get3A_5 = arith.constant 0 : index
    %get3A_6 = arith.constant 0 : index
    %get3A_7 = vector.load %arg1[%get3A_4, %get3A_5, %get3A_6] : memref<2x1024x128xf32, #tpu.memory_space<vmem>>, vector<1x1024x128xf32>
    %get3A_8 = vector.shape_cast %get3A_7 : vector<1x1024x128xf32> to vector<1024x128xf32>
    %add3A = arith.addf %get3A_3, %get3A_8 : vector<1024x128xf32>
    %get3A_9 = arith.constant 0 : index
    %get3A_10 = arith.constant 0 : index
    %get3A_11 = vector.load %arg3[%get3A_9, %get3A_10] : memref<1024x128xf32, #tpu.memory_space<vmem>>, vector<1024x128xf32>
    %get3A_12 = arith.constant 0 : index
    %get3A_13 = arith.constant 0 : index
    %get3A_14 = vector.load %arg2[%get3A_12, %get3A_13] : memref<1024x128xf32, #tpu.memory_space<vmem>>, vector<1024x128xf32>
    %add3A_15 = arith.addf %add3A, %get3A_14 : vector<1024x128xf32>
    %mul3A = arith.mulf %get3A_11, %add3A_15 : vector<1024x128xf32>
    %get3A_16 = arith.constant 0 : index
    %get3A_17 = arith.constant 0 : index
    %get3A_18 = vector.load %arg4[%get3A_16, %get3A_17] : memref<1x128xf32, #tpu.memory_space<vmem>>, vector<1x128xf32>
    %add3A_19 = vector.broadcast %get3A_18 : vector<1x128xf32> to vector<1024x128xf32>
    %add3A_20 = arith.addf %mul3A, %add3A_19 : vector<1024x128xf32>
    %max3A = arith.constant 0.000000e+00 : f32
    %max3A_21 = vector.broadcast %max3A : f32 to vector<1024x128xf32>
    %max3A_22 = arith.maximumf %add3A_20, %max3A_21 : vector<1024x128xf32>
    %get3A_23 = arith.constant 0 : index
    %get3A_24 = arith.constant 0 : index
    %get3A_25 = vector.load %arg5[%get3A_23, %get3A_24] : memref<128x64xf32, #tpu.memory_space<vmem>>, vector<128x64xf32>
    %dot_general3A = arith.constant dense<0.000000e+00> : vector<1024x64xf32>
    %dot_general3A_26 = tpu.matmul %max3A_22, %get3A_25, %dot_general3A {dimension_numbers = #tpu.dot_dimension_numbers<[1], [0], [0], [1], [0, 0, 1, 1], [], []>, precision = #tpu.contract_precision<fp32>, transpose_lhs_hint = false} : vector<1024x128xf32>, vector<128x64xf32>, vector<1024x64xf32> -> vector<1024x64xf32>
    %get3A_27 = arith.constant 0 : index
    %get3A_28 = arith.constant 0 : index
    %get3A_29 = vector.load %arg6[%get3A_27, %get3A_28] : memref<1x64xf32, #tpu.memory_space<vmem>>, vector<1x64xf32>
    %add3A_30 = vector.broadcast %get3A_29 : vector<1x64xf32> to vector<1024x64xf32>
    %add3A_31 = arith.addf %dot_general3A_26, %add3A_30 : vector<1024x64xf32>
    %swap3A = arith.constant 0 : index
    %swap3A_32 = arith.constant 0 : index
    %swap3A_33 = vector.load %arg7[%swap3A, %swap3A_32] : memref<1024x64xf32, #tpu.memory_space<vmem>>, vector<1024x64xf32>
    tpu.vector_store %arg7[%swap3A, %swap3A_32], %add3A_31 {strides = array<i32>} : memref<1024x64xf32, #tpu.memory_space<vmem>>, vector<1024x64xf32>,
    return
  }
  func.func @transform_0(%arg0: i32) -> (i32, i32, i32) {
    %c0_i32 = arith.constant 0 : i32
    %c0_i32_0 = arith.constant 0 : i32
    %c0_i32_1 = arith.constant 0 : i32
    return %c0_i32, %arg0, %c0_i32_0 : i32, i32, i32
  }
  func.func @transform_1(%arg0: i32) -> (i32, i32) {
    %c0_i32 = arith.constant 0 : i32
    %c0_i32_0 = arith.constant 0 : i32
    return %arg0, %c0_i32 : i32, i32
  }
  func.func @transform_2(%arg0: i32) -> (i32, i32) {
    %c0_i32 = arith.constant 0 : i32
    %c0_i32_0 = arith.constant 0 : i32
    return %arg0, %c0_i32 : i32, i32
  }
  func.func @transform_3(%arg0: i32) -> (i32, i32) {
    %c0_i32 = arith.constant 0 : i32
    %c0_i32_0 = arith.constant 0 : i32
    %c0_i32_1 = arith.constant 0 : i32
    return %c0_i32, %c0_i32_0 : i32, i32
  }
  func.func @transform_4(%arg0: i32) -> (i32, i32) {
    %c0_i32 = arith.constant 0 : i32
    %c0_i32_0 = arith.constant 0 : i32
    %c0_i32_1 = arith.constant 0 : i32
    return %c0_i32, %c0_i32_0 : i32, i32
  }
  func.func @transform_5(%arg0: i32) -> (i32, i32) {
    %c0_i32 = arith.constant 0 : i32
    %c0_i32_0 = arith.constant 0 : i32
    %c0_i32_1 = arith.constant 0 : i32
    return %c0_i32, %c0_i32_0 : i32, i32
  }
  func.func @transform_6(%arg0: i32) -> (i32, i32) {
    %c0_i32 = arith.constant 0 : i32
    %c0_i32_0 = arith.constant 0 : i32
    return %arg0, %c0_i32 : i32, i32
  }
}

</mosaic_0001>

<sc_bundles>
// kernel: kernel.11.cloned.1.call-start
scs
__scs_entry_jumppad:
0x0: {  	(pc) =	sbr.rel $0x88, $3  }
0x1: {  	(tag) =	ssettag $0x0;
	lr =	simm.s32 $0x1  }
0x2: {  	[smem:$0x3F98] =	sst lr;
	_ =	strace $0xD0000000  }
0x3: {  	_ = 	snop  }
0x4: {  	_ = 	snop  }
0x5: {  	_ = 	snop  }
0x6: {  	_ = 	snop  }
0x7: {  	_ = 	snop  }
__scs_overlays_trampoline_lowered:
0x8: {  	[smem:$0x3FA7] =	sst s0  }
0x9: {  	[smem:$0x3FA8] =	sst s1  }
0xa: {  	[smem:$0x3FA9] =	sst s2  }
0xb: {  	[smem:$0x3FAA] =	sst s3  }
0xc: {  	[smem:$0x3FAB] =	sst s4  }
0xd: {  	[smem:$0x3FAC] =	sst s5  }
0xe: {  	[smem:$0x3FAD] =	sst s6  }
0xf: {  	[smem:$0x3FAE] =	sst s7  }
0x10: {  	[smem:$0x3FAF] =	sst s8  }
0x11: {  	[smem:$0x3FB0] =	sst s9;
	s0 =	simm.s32 @!p0 $0x0  }
0x12: {  	s1 =	sld [smem:$0x3F96];
	s0 =	simm.s32 @p0 $0x1  }
0x13: {  	[smem:$0x3FB1] =	sst s0;
	s0 =	simm.s32 @!p1 $0x0  }
0x14: {  	s2 =	sld [smem:$0x3F95];
	s0 =	simm.s32 @p1 $0x1  }
0x15: {  	[smem:$0x3FB2] =	sst s0;
	s0 =	simm.s32 @!p2 $0x0  }
0x16: {  	s3 =	sld [smem:$0x3FDB];
	s0 =	simm.s32 @p2 $0x1  }
0x17: {  	s4 =	simm.s32 $0x1BF5;
	[smem:$0x3FB4] =	sst s0  }
0x18: {  	s0 =	sld [smem:$0x3F97];
	_ =	swait.ge [sflag:s4], $0x0  }
0x19: {  	s7 =	sld [smem:$0x3F98]  }
0x1a: {  	s8 =	sadd.s32 $0xFFFFE003, lr  }
0x1b: {  	s9 =	sadd.s32 $0xFFFFFEF7, lr;
	s5 =	simm.s32 $0xFFFFFFFF;
	p2 =	slt.u32 s8, $0xFFFFF086  }
0x1c: {  	p1 =	slt.u32 s9, $0xF7A;
	s5 =	simm.s32 @!p2 $0x0  }
0x1d: {  	s5 =	simm.s32 @p1 $0x1;
	p0 =	seq.s32 s7, s2  }
0x1e: {  	s7 =	smul.u32 @!p0 $0xF7A, s2;
	p2 =	seq.s32 @!p0 s5, $0x0  }
0x1f: {  	s9 =	smul.u32 $0xF7A, s1;
	s8 =	simm.s32 @!p0 $0x1BF5;
	p2 =	por !p2, p0  }
0x20: {  	[sflag:s8] =	ssyncset.s32 @!p0 $0xFFFFF086;
	s6 =	sadd.s32 @!p0 s3, s7;
	s7 =	simm.s32 @!p0 $0x108  }
0x21: {  	s3 =	sadd.s32 s3, s9;
	s6 =	sadd.s32 @!p0 $0x88, s6;
	s7 =	simm.s32 @p2 $0x1082  }
0x22: {  	[simem:s7], [sflag:s8] =	dma.local @!p0 [hbm:s6], $0xF7A  }
0x23: {  	s9 =	sor.u32 $0xD0000000, s2;
	s6 =	simm.s32 $0x108;
	_ =	swait.ge @!p0 [sflag:s8], $0x0  }
0x24: {  	s3 =	sadd.s32 $0x88, s3;
	s6 =	simm.s32 @!p1 $0x1082;
	[sflag:s4] =	ssyncset.s32 $0xFFFFF086  }
0x25: {  	[simem:s6], [sflag:s4] =	dma.local [hbm:s3], $0xF7A  }
0x26: {  	[smem:$0x3F98] =	sst s1;
	(tag) =	ssettag s2;
	_ =	strace s9  }
0x27: {  	s1 =	sld [smem:$0x3FA8]  }
0x28: {  	s2 =	sld [smem:$0x3FA9]  }
0x29: {  	s4 =	sld [smem:$0x3FAB]  }
0x2a: {  	p0 =	seq.s32 s5, $0x0;
	s5 =	sld [smem:$0x3FAC]  }
0x2b: {  	s6 =	sld [smem:$0x3FAD]  }
0x2c: {  	s7 =	sld [smem:$0x3FAE]  }
0x2d: {  	s3 =	simm.s32 $0x108;
	s8 =	sld [smem:$0x3FAF]  }
0x2e: {  	s3 =	simm.s32 @!p0 $0x1082;
	s9 =	sld [smem:$0x3FB0]  }
0x2f: {  	lr =	sadd.s32 s0, s3;
	s0 =	sld [smem:$0x3FA7]  }
0x30: {  	s3 =	sld [smem:$0x3FAA]  }
0x31: {  	[smem:$0x3FB3] =	sst s10  }
0x32: {  	s10 =	sld [smem:$0x3FB1];
	_ =	sdelay $0x3  }
0x33: {  	p0 =	seq.s32 s10, $0x1;
	s10 =	sld [smem:$0x3FB3];
	_ =	sdelay $0x3  }
0x34: {  	[smem:$0x3FB3] =	sst s10  }
0x35: {  	s10 =	sld [smem:$0x3FB2];
	_ =	sdelay $0x3  }
0x36: {  	p1 =	seq.s32 s10, $0x1;
	s10 =	sld [smem:$0x3FB3];
	_ =	sdelay $0x3  }
0x37: {  	[smem:$0x3FB3] =	sst s10  }
0x38: {  	s10 =	sld [smem:$0x3FB4]  }
0x39: {  	_ = 	snop;
	(pc) =	sbr.ind lr, $3  }
0x3a: {  	_ = 	snop  }
0x3b: {  	_ = 	snop  }
0x3c: {  	p2 =	seq.s32 s10, $0x1;
	s10 =	sld [smem:$0x3FB3]  }
0x3d: {  	_ =	shalt  }
0x3e: {  	_ =	shalt  }
0x3f: {  	_ =	shalt  }
0x40: {  	_ =	shalt  }
0x41: {  	_ =	shalt  }
0x42: {  	_ =	shalt  }
0x43: {  	_ =	shalt  }
0x44: {  	_ =	shalt  }
0x45: {  	_ =	shalt  }
0x46: {  	_ =	shalt  }
0x47: {  	_ =	shalt  }
0x48: {  	_ =	shalt  }
0x49: {  	_ =	shalt  }
0x4a: {  	_ =	shalt  }
0x4b: {  	_ =	shalt  }
0x4c: {  	_ =	shalt  }
0x4d: {  	_ =	shalt  }
0x4e: {  	_ =	shalt  }
0x4f: {  	_ =	shalt  }
0x50: {  	_ =	shalt  }
0x51: {  	_ =	shalt  }
0x52: {  	_ =	shalt  }
0x53: {  	_ =	shalt  }
0x54: {  	_ =	shalt  }
0x55: {  	_ =	shalt  }
0x56: {  	_ =	shalt  }
0x57: {  	_ =	shalt  }
0x58: {  	_ =	shalt  }
0x59: {  	_ =	shalt  }
0x5a: {  	_ =	shalt  }
0x5b: {  	_ =	shalt  }
0x5c: {  	_ =	shalt  }
0x5d: {  	_ =	shalt  }
0x5e: {  	_ =	shalt  }
0x5f: {  	_ =	shalt  }
0x60: {  	_ =	shalt  }
0x61: {  	_ =	shalt  }
0x62: {  	_ =	shalt  }
0x63: {  	_ =	shalt  }
0x64: {  	_ =	shalt  }
0x65: {  	_ =	shalt  }
0x66: {  	_ =	shalt  }
0x67: {  	_ =	shalt  }
0x68: {  	_ =	shalt  }
0x69: {  	_ =	shalt  }
0x6a: {  	_ =	shalt  }
0x6b: {  	_ =	shalt  }
0x6c: {  	_ =	shalt  }
0x6d: {  	_ =	shalt  }
0x6e: {  	_ =	shalt  }
0x6f: {  	_ =	shalt  }
0x70: {  	_ =	shalt  }
0x71: {  	_ =	shalt  }
0x72: {  	_ =	shalt  }
0x73: {  	_ =	shalt  }
0x74: {  	_ =	shalt  }
0x75: {  	_ =	shalt  }
0x76: {  	_ =	shalt  }
0x77: {  	_ =	shalt  }
0x78: {  	_ =	shalt  }
0x79: {  	_ =	shalt  }
0x7a: {  	_ =	shalt  }
0x7b: {  	_ =	shalt  }
0x7c: {  	_ =	shalt  }
0x7d: {  	_ =	shalt  }
0x7e: {  	_ =	shalt  }
0x7f: {  	_ =	shalt  }
0x80: {  	_ =	shalt  }
0x81: {  	_ =	shalt  }
0x82: {  	_ =	shalt  }
0x83: {  	_ =	shalt  }
0x84: {  	_ =	shalt  }
0x85: {  	_ =	shalt  }
0x86: {  	_ =	shalt  }
0x87: {  	_ =	shalt  }
.Lfunc_end0:
.L_simem_size_0:
called_computation.1_lowered:
.L_overlay_start_0:
0x88: {  	s2 =	sld [smem:$0x3FD9]  }
0x89: {  	s3 =	sld [smem:$0x3FFE];
	_ =	sdelay $0x1  }
0x8a: {  	s1 =	srdreg.scid  }
0x8b: {  	s0 =	sand.u32 $0x1, s1  }
0x8c: {  	s16 =	sshll.u32 s0, $0xA;
	s2 =	sadd.s32 s3, s2  }
0x8d: {  	s2 =	sadd.s32 s2, s16  }
0x8e: {  	[smem:$0x3FBF] =	sst s2  }
0x8f: {  	_ = 	snop  }
0x90: {  	(tm) =	ssettm $0x1  }
0x91: {  	s17 =	sld [smem:$0x3FFB];
	_ =	sdelay $0x3  }
0x92: {  	_ =	strace s17  }
0x93: {  	s2 =	sld [smem:$0x3FFC];
	_ =	sdelay $0x3  }
0x94: {  	_ =	strace s2  }
0x95: {  	s2 =	sld [smem:$0x3FFD];
	_ =	sdelay $0x3  }
0x96: {  	_ =	strace s2  }
0x97: {  	_ =	strace $0x8FFFFFFF  }
0x98: {  	s18 =	sld [smem:$0x3FDB];
	_ =	sdelay $0x1  }
0x99: {  	s19 =	simm.s32 $_scs_section_size  }
0x9a: {  	s4 =	simm.s32 $_size__tile_overlayer_lowered;
	s5 =	simm.s32 $_tile_overlayer_lowered  }
0x9b: {  	s22 =	simm.s32 $0x1BFF;
	s21 =	sshll.u32 s5, $0x1;
	s2 =	sadd.s32 s19, s18  }
0x9c: {  	s6 =	simm.s32 $0x0;
	s20 =	sshll.u32 s4, $0x1;
	s4 =	sadd.s32 s21, s2  }
0x9d: {  	[timem:s6], [sflag:s22] =	dma.local [hbm:s4], s20  }
0x9e: {  	_ =	swait.ge [sflag:s22], s20  }
0x9f: {  	s3 =	ssub.s32 $0x0, s20;
	[sflag:s22] =	ssyncset.done $0x0  }
0xa0: {  	[sflag:s22] =	ssyncadd.s32 s3;
	_ =	sdelay $0x1  }
0xa1: {  	s23 =	simm.s32 $0x1B8B  }
0xa2: {  	_ =	swait.ge [sflag:s23], $0x1  }
0xa3: {  	[sflag:s23] =	ssyncset.done $0x0  }
0xa4: {  	s25 =	simm.s32 $0x1B8E;
	s24 =	sld [smem:$0x3FFE];
	[sflag:s23] =	ssyncadd.s32 $0xFFFFFFFF  }
0xa5: {  	s26 =	simm.s32 $execute0_lowered;
	[smem:$0x3FD2] =	sst s25  }
0xa6: {  	s4 =	sshll.u32 s26, $0x1;
	_ =	strace $0x80000049;
	[dreg:$0x1] =	wrdreg $0xFFFFFFFF  }
0xa7: {  	s28 =	simm.s32 $_size_execute0_lowered;
	s2 =	sadd.s32 s2, s4;
	[dreg:$0x0] =	wrdreg $0x0  }
0xa8: {  	s4 =	sshll.u32 s28, $0x1;
	[dreg:$0x2] =	wrdreg s2  }
0xa9: {  	[dreg:$0x3] =	wrdreg s4  }
0xaa: {  	[dreg:$0x4] =	wrdreg $0xC0  }
0xab: {  	_ =	task [dreg:s6], $0x5FFFF  }
0xac: {  	[dreg:$0x1] =	wrdreg $0xFFFFFFFF  }
0xad: {  	[dreg:$0x0] =	wrdreg $0x60  }
0xae: {  	[dreg:$0x2] =	wrdreg s24  }
0xaf: {  	[dreg:$0x3] =	wrdreg $0x0  }
0xb0: {  	[dreg:$0x4] =	wrdreg $0x9  }
0xb1: {  	_ =	task.clear_ibuf [dreg:s6], $0x5FFFF;
	_ =	strace $0x90000049  }
0xb2: {  	s29 =	simm.s32 $0x9;
	_ =	strace $0x8000004B  }
0xb3: {  	_ =	swait.ge [sflag:s29], $0x1  }
0xb4: {  	[sflag:s29] =	ssyncadd.s32 $0xFFFFFFFF  }
0xb5: {  	_ =	strace $0x9000004B  }
0xb6: {  	_ =	sfence  }
0xb7: {  	s30 =	sld [smem:$0x0];
	_ =	sdelay $0x2  }
0xb8: {  	s31 =	sshll.u32 s1, $0xD;
	s1 =	sshrl.u32 s1, $0x2  }
0xb9: {  	s3 =	sand.u32 $0x4000, s31;
	s1 =	sadd.s32 s1, s30  }
0xba: {  	s0 =	sor.u32 s3, s0;
	s1 =	sshll.u32 s1, $0x11  }
0xbb: {  	s0 =	sor.u32 s1, s0  }
0xbc: {  	s0 =	sadd.s32 $0x8F2B, s0  }
0xbd: {  	[sflag:s0] =	ssyncadd.remote.s32 $0x1  }
0xbe: {  	_ =	sfence.sel $0xFFFF  }
0xbf: {  	[dreg:$0x0] =	wrdreg $0xFFFFFFFF;
	(pc) =	sbr.abs _section_cstart, $3  }
0xc0: {  	[dreg:$0x1] =	wrdreg $0xFFFFFFFF  }
0xc1: {  	_ =	task.clear_ibuf [dreg:s6], $0x2FFFF;
	_ =	strace $0x9FFFFFFF  }
0xc2: {  	(tm) =	ssettm $0x7FFFFFFF  }
0xc3: {  	_ =	shalt  }
tec
execute0_lowered:
.L_overlay_start_1:
0x0: {  	(tag) =	ssettag $0x1  }
0x1: {  	s8 =	rddreg [dreg:$0x0]  }
0x2: {  	s1 =	rddreg [dreg:$0x1]  }
0x3: {  	s2 =	srdreg.scid;
	s0 =	rddreg [dreg:$0x2]  }
0x4: {  	s3 =	simm.s32 $0x0;
	s16 =	simm.s32 $0x14000;
	s17 =	simm.s32 $0x2  }
0x5: {  	s18 =	simm.s32 $0x18000;
	s19 =	simm.s32 $0x18080;
	s20 =	simm.s32 $0x18100  }
0x6: {  	s21 =	simm.s32 $0x80;
	s22 =	simm.s32 $0x1;
	s9 =	sand.u32 $0x1, s2  }
0x7: {  	s2 =	stileid.u32;
	[smem:$0x7FF] =	sst s3;
	s4 =	sadd.s32 $0x20600, s8  }
0x8: {  	s5 =	sadd.s32 $0x16800, s8;
	s6 =	sadd.s32 $0x2C00, s8;
	s7 =	smul.u32 $0x140000, s9  }
0x9: {  	s10 =	smul.u32 $0x14000, s2;
	_ =	strace $0x8000004A;
	s12 =	ssub.s32 $0x2, s9  }
0xa: {  	s11 =	smul.u32 $0x50000, s2;
	s31 =	sshll.u32 s2, $0x1;
	s29 =	sshrl.u32 s12, $0x1  }
0xb: {  	s13 =	sor.u32 s9, s31;
	s10 =	sadd.s32 s10, s7;
	s7 =	sadd.s32 $0xCA00, s8  }
0xc: {  	s30 =	sshrl.u32 s11, $0x2;
	s15 =	ssub.s32 s12, s29;
	s10 =	sshrl.u32 s10, $0x3  }
0xd: {  	s13 =	smul.u32 $0x4F, s13;
	s14 =	sadd.s32 s10, s8;
	s8 =	sadd.s32 s30, s1  }
0xe: {  	s15 =	smax.u32 s15, $0x1;
	s9 =	sadd.s32 $0x4000, s8;
	s10 =	sadd.s32 $0x8000, s8  }
0xf: {  	v0 =	vimm.f32 $0.0e+00;
	s11 =	sadd.s32 $0xC000, s8;
	s12 =	sadd.s32 $0x10000, s8;
	s14 =	sadd.s32 $0x48600, s14  }
.LBB2_1:
0x10: {  	s23 =	simm.s32 $0x0;
	s24 =	simm.s32 $0x200  }
.LBB2_2:
0x11: {  	p0 =	sne.s32 s24, $0xFE00;
	[tilespmem:s23+$0x14070] =	vst v0  }
0x12: {  	[tilespmem:s23+$0x14000] =	vst v0  }
0x13: {  	[tilespmem:s23+$0x14010] =	vst v0  }
.Ltmp0:
0x14: {  	[tilespmem:s23+$0x14020] =	vst v0;
	(pc) =	sbr.rel @p0 .LBB2_2-.Ltmp0, $4  }
0x15: {  	[tilespmem:s23+$0x14030] =	vst v0  }
0x16: {  	[tilespmem:s23+$0x14040] =	vst v0  }
0x17: {  	[tilespmem:s23+$0x14050] =	vst v0  }
0x18: {  	[tilespmem:s23+$0x14060] =	vst v0;
	s23 =	sshra.s32 s24, $0x2;
	s24 =	sadd.s32 $0x200, s24  }
0x19: {  	[tilespmem:s23+$0x14070] =	vst v0  }
0x1a: {  	[tilespmem:s23+$0x14000] =	vst v0  }
0x1b: {  	[tilespmem:s23+$0x14010] =	vst v0  }
0x1c: {  	[tilespmem:s23+$0x14020] =	vst v0  }
0x1d: {  	[tilespmem:s23+$0x14030] =	vst v0  }
0x1e: {  	[tilespmem:s23+$0x14040] =	vst v0  }
0x1f: {  	[tilespmem:s23+$0x14050] =	vst v0  }
0x20: {  	[tilespmem:s23+$0x14060] =	vst v0  }
0x21: {  	[spmem:s8] =	stream.linear.scatter [tilespmem:s16], [sflag:$0x2], $0x4000, $0x38;
	[tilespmem:$0x18180] =	vst v63  }
0x22: {  	_ =	swait.ge [sflag:s17], $0x4000  }
0x23: {  	[sflag:s17] =	ssyncset.done $0x0  }
0x24: {  	[sflag:s17] =	ssyncadd.s32 $0xFFFFC000  }
0x25: {  	[spmem:s9] =	stream.linear.scatter [tilespmem:s16], [sflag:$0x2], $0x4000, $0x38;
	[tilespmem:$0x18180] =	vst v63  }
0x26: {  	_ =	swait.ge [sflag:s17], $0x4000  }
0x27: {  	[sflag:s17] =	ssyncset.done $0x0  }
0x28: {  	[sflag:s17] =	ssyncadd.s32 $0xFFFFC000  }
0x29: {  	[spmem:s10] =	stream.linear.scatter [tilespmem:s16], [sflag:$0x2], $0x4000, $0x38;
	[tilespmem:$0x18180] =	vst v63  }
0x2a: {  	_ =	swait.ge [sflag:s17], $0x4000  }
0x2b: {  	[sflag:s17] =	ssyncset.done $0x0  }
0x2c: {  	[sflag:s17] =	ssyncadd.s32 $0xFFFFC000  }
0x2d: {  	[spmem:s11] =	stream.linear.scatter [tilespmem:s16], [sflag:$0x2], $0x4000, $0x38;
	[tilespmem:$0x18180] =	vst v63  }
0x2e: {  	_ =	swait.ge [sflag:s17], $0x4000  }
0x2f: {  	[sflag:s17] =	ssyncset.done $0x0  }
0x30: {  	[sflag:s17] =	ssyncadd.s32 $0xFFFFC000  }
0x31: {  	[spmem:s12] =	stream.linear.scatter [tilespmem:s16], [sflag:$0x2], $0x4000, $0x38;
	[tilespmem:$0x18180] =	vst v63  }
0x32: {  	_ =	swait.ge [sflag:s17], $0x4000  }
0x33: {  	[sflag:s17] =	ssyncset.done $0x0  }
0x34: {  	[sflag:s17] =	ssyncadd.s32 $0xFFFFC000  }
0x35: {  	s23 =	simm.s32 $0x0;
	s24 =	simm.s32 $0x0;
	[bflag:$0x0] =	sbarrier.arrive $0xFFFF  }
.LBB2_4:
0x36: {  	s25 =	sadd.s32 s13, s24  }
0x37: {  	s25 =	sshll.u32 s25, $0x4  }
0x38: {  	s26 =	sadd.s32 s5, s25  }
0x39: {  	[tilespmem:s18], [sflag:$0x2] =	stream.linear.gather [hbm4b:s26+s23], $0x80, $0x38;
	[tilespmem:$0x18180] =	vst v63  }
0x3a: {  	_ =	swait.ge [sflag:s17], $0x80  }
0x3b: {  	[sflag:s17] =	ssyncset.done $0x0  }
0x3c: {  	s31 =	sadd.s32 s6, s25;
	[sflag:s17] =	ssyncadd.s32 $0xFFFFFF80  }
0x3d: {  	[tilespmem:s19], [sflag:$0x2] =	stream.linear.gather [hbm4b:s31+s23], $0x80, $0x38;
	[tilespmem:$0x18180] =	vst v63  }
0x3e: {  	_ =	swait.ge [sflag:s17], $0x80  }
0x3f: {  	[sflag:s17] =	ssyncset.done $0x0  }
0x40: {  	s25 =	sadd.s32 s7, s25;
	[sflag:s17] =	ssyncadd.s32 $0xFFFFFF80  }
0x41: {  	[tilespmem:s20], [sflag:$0x2] =	stream.linear.gather [hbm4b:s25+s23], $0x80, $0x38;
	[tilespmem:$0x18180] =	vst v63  }
0x42: {  	_ =	swait.ge [sflag:s17], $0x80  }
0x43: {  	[sflag:s17] =	ssyncset.done $0x0  }
0x44: {  	[sflag:s17] =	ssyncadd.s32 $0xFFFFFF80  }
0x45: {  	[tilespmem:s16], [sflag:$0x1] =	stream.indirect.gather [hbm4b:s4+s21], $0x80, s18, s21, $0xb8;
	[tilespmem:$0x18180] =	vst v63  }
0x46: {  	_ =	swait.ge [sflag:s22], $0x4000  }
0x47: {  	v1 =	vmov s23;
	[sflag:s22] =	ssyncset.done $0x0  }
0x48: {  	s25 =	simm.s32 $0x14040;
	[sflag:s22] =	ssyncadd.s32 $0xFFFFC000  }
0x49: {  	v5 =	vld [tilespmem:s25+$0x30]  }
0x4a: {  	v8 =	vld [tilespmem:s25+$0x10]  }
0x4b: {  	v6 =	vld [tilespmem:s25+$0xFFFFFFC0]  }
0x4c: {  	v2 =	vld.idx.msk [tilespmem:v1+s20+$0x0], $0xffff  }
0x4d: {  	v10 =	vld [tilespmem:s25+$0xFFFFFFE0]  }
0x4e: {  	v1 =	vld [tilespmem:s25+$0xFFFFFFF0]  }
0x4f: {  	v3 =	vld [tilespmem:s25+$0x20]  }
0x50: {  	v4 =	vld [tilespmem:s25+$0xFFFFFFD0]  }
0x51: {  	v9 =	vmul.f32 v5, v2;
	v5 =	vld [tilespmem:s25+$0x0]  }
0x52: {  	v7 =	vmul.f32 v6, v2  }
0x53: {  	s28 =	simm.s32 $0x14040;
	s26 =	simm.s32 $0x1;
	v6 =	vmul.f32 v10, v2;
	v8 =	vmul.f32 v8, v2  }
.LBB2_5:
0x54: {  	p0 =	sne.s32 s26, $0x7F  }
0x55: {  	v4 =	vmul.f32 v4, v2;
	v3 =	vmul.f32 v3, v2;
	[tilespmem:s25+$0x30] =	vst v9;
	s28 =	sadd.s32 $0x80, s28;
	s29 =	smov.u32 s26;
	s26 =	sadd.s32 $0x1, s26  }
0x56: {  	[tilespmem:s25+$0xFFFFFFC0] =	vst v7;
	v7 =	vmul.f32 v1, v2;
	v2 =	vmul.f32 v5, v2  }
0x57: {  	[tilespmem:s25+$0x10] =	vst v8  }
0x58: {  	v5 =	vmov s29;
	[tilespmem:s25+$0xFFFFFFE0] =	vst v6  }
0x59: {  	v1 =	vld [tilespmem:s28+$0xFFFFFFF0];
	[tilespmem:s25+$0xFFFFFFF0] =	vst v7  }
0x5a: {  	v6 =	vld [tilespmem:s28+$0x30];
	[tilespmem:s25+$0x0] =	vst v2  }
0x5b: {  	v8 =	vld [tilespmem:s28+$0x10];
	[tilespmem:s25+$0x20] =	vst v3  }
0x5c: {  	v7 =	vld [tilespmem:s28+$0xFFFFFFC0];
	[tilespmem:s25+$0xFFFFFFD0] =	vst v4;
	s25 =	smov.u32 s28  }
0x5d: {  	v2 =	vld.idx.msk [tilespmem:v5+s20+$0x0], $0xffff  }
0x5e: {  	v10 =	vld [tilespmem:s28+$0xFFFFFFE0]  }
0x5f: {  	v3 =	vld [tilespmem:s28+$0x20]  }
.Ltmp1:
0x60: {  	v4 =	vld [tilespmem:s28+$0xFFFFFFD0];
	(pc) =	sbr.rel @p0 .LBB2_5-.Ltmp1, $3  }
0x61: {  	v5 =	vld [tilespmem:s28+$0x0];
	_ =	sdelay $0x1  }
0x62: {  	v7 =	vmul.f32 v7, v2;
	v9 =	vmul.f32 v6, v2  }
0x63: {  	v8 =	vmul.f32 v8, v2;
	v6 =	vmul.f32 v10, v2  }
0x64: {  	[tilespmem:s25+$0x30] =	vst v9  }
0x65: {  	[tilespmem:s25+$0xFFFFFFC0] =	vst v7  }
0x66: {  	v1 =	vmul.f32 v1, v2;
	[tilespmem:s25+$0x10] =	vst v8  }
0x67: {  	v3 =	vmul.f32 v3, v2;
	[tilespmem:s25+$0xFFFFFFE0] =	vst v6  }
0x68: {  	v5 =	vmul.f32 v5, v2;
	[tilespmem:s25+$0xFFFFFFF0] =	vst v1  }
0x69: {  	s24 =	sadd.s32 $0x1, s24;
	v1 =	vmul.f32 v4, v2;
	[tilespmem:s25+$0x20] =	vst v3  }
0x6a: {  	p0 =	sne.s32 s24, $0x4F;
	[tilespmem:s25+$0x0] =	vst v5  }
.Ltmp2:
0x6b: {  	[tilespmem:s25+$0xFFFFFFD0] =	vst v1;
	(pc) =	sbr.rel @p0 .LBB2_4-.Ltmp2, $4  }
0x6c: {  	[spmem:s1] =	stream.indirect.scatter.add.f32 [tilespmem:s16], [sflag:$0x2], $0x80, s19, s21, $0xb8;
	[tilespmem:$0x18180] =	vst v63  }
0x6d: {  	_ =	swait.ge [sflag:s17], $0x4000  }
0x6e: {  	[sflag:s17] =	ssyncset.done $0x0  }
0x6f: {  	[sflag:s17] =	ssyncadd.s32 $0xFFFFC000  }
0x70: {  	s3 =	sadd.s32 $0x1, s3  }
0x71: {  	s23 =	sshll.u32 s2, $0x6;
	[bflag:$0x0] =	sbarrier.arrive $0xFFFF;
	p0 =	sne.s32 s3, s15  }
.Ltmp3:
0x72: {  	s24 =	sshrl.u32 s8, $0x3;
	s23 =	sor.u32 $0x1C02, s23;
	(pc) =	sbr.rel @p0 .LBB2_1-.Ltmp3, $4  }
0x73: {  	[hbm:s14], [sflag:s23] =	dma.local [spmem:s24], $0x2800  }
0x74: {  	_ =	swait.ge [sflag:s17], $0x2800  }
0x75: {  	[sflag:s17] =	ssyncset.done $0x0  }
0x76: {  	[sflag:s17] =	ssyncadd.s32 $0xFFFFD800  }
0x77: {  	_ =	sfence.sel $0x180000  }
0x78: {  	[bflag:$0x0] =	sbarrier.arrive $0xFFFF  }
0x79: {  	p0 =	sne.s32 s2, $0x0;
	_ =	strace $0x9000004A  }
0x7a: {  	s0 =	sadd.s32 @!p0 $0x100000, s0;
	[bflag:$0x2] =	sbarrier.arrive $0xFFFF  }
0x7b: {  	[sflag:s0] =	ssyncadd.tile.s32 @!p0 $0x1;
	_ =	shalt  }
.Lfunc_end2:
_tile_overlayer_lowered:
.L_overlay_start_2:
0x7c: {  	(tag) =	ssettag $0x2  }
0x7d: {  	s0 =	rddreg [dreg:$0x0];
	s2 =	stileid.u32  }
0x7e: {  	s1 =	rddreg [dreg:$0x1];
	p0 =	sne.s32 s2, $0x0  }
0x7f: {  	s3 =	rddreg [dreg:$0x2];
	[bflag:$0x3] =	sbarrier.arrive $0xFFFF;
	s2 =	simm.s32 @!p0 $0x1C02  }
0x80: {  	[timem:s3], [sflag:s2] =	dma.local @!p0 [hbm:s0], s1  }
0x81: {  	s0 =	simm.s32 @!p0 $0x2  }
0x82: {  	_ =	swait.ge @!p0 [sflag:s0], s1  }
0x83: {  	s1 =	ssub.s32 @!p0 $0x0, s1;
	[sflag:s0] =	ssyncset.done @!p0 $0x0  }
0x84: {  	[sflag:s0] =	ssyncadd.s32 @!p0 s1  }
0x85: {  	[bflag:$0x3] =	sbarrier.arrive $0xFFFF  }
0x86: {  	_ =	shalt  }

// kernel: kernel.14.cloned.1.call-start
scs
__scs_entry_jumppad:
0x0: {  	(pc) =	sbr.rel $0x88, $3  }
0x1: {  	(tag) =	ssettag $0x0;
	lr =	simm.s32 $0x1  }
0x2: {  	[smem:$0x3F98] =	sst lr;
	_ =	strace $0xD0000000  }
0x3: {  	_ = 	snop  }
0x4: {  	_ = 	snop  }
0x5: {  	_ = 	snop  }
0x6: {  	_ = 	snop  }
0x7: {  	_ = 	snop  }
__scs_overlays_trampoline_lowered:
0x8: {  	[smem:$0x3FA7] =	sst s0  }
0x9: {  	[smem:$0x3FA8] =	sst s1  }
0xa: {  	[smem:$0x3FA9] =	sst s2  }
0xb: {  	[smem:$0x3FAA] =	sst s3  }
0xc: {  	[smem:$0x3FAB] =	sst s4  }
0xd: {  	[smem:$0x3FAC] =	sst s5  }
0xe: {  	[smem:$0x3FAD] =	sst s6  }
0xf: {  	[smem:$0x3FAE] =	sst s7  }
0x10: {  	[smem:$0x3FAF] =	sst s8  }
0x11: {  	[smem:$0x3FB0] =	sst s9;
	s0 =	simm.s32 @!p0 $0x0  }
0x12: {  	s1 =	sld [smem:$0x3F96];
	s0 =	simm.s32 @p0 $0x1  }
0x13: {  	[smem:$0x3FB1] =	sst s0;
	s0 =	simm.s32 @!p1 $0x0  }
0x14: {  	s2 =	sld [smem:$0x3F95];
	s0 =	simm.s32 @p1 $0x1  }
0x15: {  	[smem:$0x3FB2] =	sst s0;
	s0 =	simm.s32 @!p2 $0x0  }
0x16: {  	s3 =	sld [smem:$0x3FDB];
	s0 =	simm.s32 @p2 $0x1  }
0x17: {  	s4 =	simm.s32 $0x1BF5;
	[smem:$0x3FB4] =	sst s0  }
0x18: {  	s0 =	sld [smem:$0x3F97];
	_ =	swait.ge [sflag:s4], $0x0  }
0x19: {  	s7 =	sld [smem:$0x3F98]  }
0x1a: {  	s8 =	sadd.s32 $0xFFFFE003, lr  }
0x1b: {  	s9 =	sadd.s32 $0xFFFFFEF7, lr;
	s5 =	simm.s32 $0xFFFFFFFF;
	p2 =	slt.u32 s8, $0xFFFFF086  }
0x1c: {  	p1 =	slt.u32 s9, $0xF7A;
	s5 =	simm.s32 @!p2 $0x0  }
0x1d: {  	s5 =	simm.s32 @p1 $0x1;
	p0 =	seq.s32 s7, s2  }
0x1e: {  	s7 =	smul.u32 @!p0 $0xF7A, s2;
	p2 =	seq.s32 @!p0 s5, $0x0  }
0x1f: {  	s9 =	smul.u32 $0xF7A, s1;
	s8 =	simm.s32 @!p0 $0x1BF5;
	p2 =	por !p2, p0  }
0x20: {  	[sflag:s8] =	ssyncset.s32 @!p0 $0xFFFFF086;
	s6 =	sadd.s32 @!p0 s3, s7;
	s7 =	simm.s32 @!p0 $0x108  }
0x21: {  	s3 =	sadd.s32 s3, s9;
	s6 =	sadd.s32 @!p0 $0x88, s6;
	s7 =	simm.s32 @p2 $0x1082  }
0x22: {  	[simem:s7], [sflag:s8] =	dma.local @!p0 [hbm:s6], $0xF7A  }
0x23: {  	s9 =	sor.u32 $0xD0000000, s2;
	s6 =	simm.s32 $0x108;
	_ =	swait.ge @!p0 [sflag:s8], $0x0  }
0x24: {  	s3 =	sadd.s32 $0x88, s3;
	s6 =	simm.s32 @!p1 $0x1082;
	[sflag:s4] =	ssyncset.s32 $0xFFFFF086  }
0x25: {  	[simem:s6], [sflag:s4] =	dma.local [hbm:s3], $0xF7A  }
0x26: {  	[smem:$0x3F98] =	sst s1;
	(tag) =	ssettag s2;
	_ =	strace s9  }
0x27: {  	s1 =	sld [smem:$0x3FA8]  }
0x28: {  	s2 =	sld [smem:$0x3FA9]  }
0x29: {  	s4 =	sld [smem:$0x3FAB]  }
0x2a: {  	p0 =	seq.s32 s5, $0x0;
	s5 =	sld [smem:$0x3FAC]  }
0x2b: {  	s6 =	sld [smem:$0x3FAD]  }
0x2c: {  	s7 =	sld [smem:$0x3FAE]  }
0x2d: {  	s3 =	simm.s32 $0x108;
	s8 =	sld [smem:$0x3FAF]  }
0x2e: {  	s3 =	simm.s32 @!p0 $0x1082;
	s9 =	sld [smem:$0x3FB0]  }
0x2f: {  	lr =	sadd.s32 s0, s3;
	s0 =	sld [smem:$0x3FA7]  }
0x30: {  	s3 =	sld [smem:$0x3FAA]  }
0x31: {  	[smem:$0x3FB3] =	sst s10  }
0x32: {  	s10 =	sld [smem:$0x3FB1];
	_ =	sdelay $0x3  }
0x33: {  	p0 =	seq.s32 s10, $0x1;
	s10 =	sld [smem:$0x3FB3];
	_ =	sdelay $0x3  }
0x34: {  	[smem:$0x3FB3] =	sst s10  }
0x35: {  	s10 =	sld [smem:$0x3FB2];
	_ =	sdelay $0x3  }
0x36: {  	p1 =	seq.s32 s10, $0x1;
	s10 =	sld [smem:$0x3FB3];
	_ =	sdelay $0x3  }
0x37: {  	[smem:$0x3FB3] =	sst s10  }
0x38: {  	s10 =	sld [smem:$0x3FB4]  }
0x39: {  	_ = 	snop;
	(pc) =	sbr.ind lr, $3  }
0x3a: {  	_ = 	snop  }
0x3b: {  	_ = 	snop  }
0x3c: {  	p2 =	seq.s32 s10, $0x1;
	s10 =	sld [smem:$0x3FB3]  }
0x3d: {  	_ =	shalt  }
0x3e: {  	_ =	shalt  }
0x3f: {  	_ =	shalt  }
0x40: {  	_ =	shalt  }
0x41: {  	_ =	shalt  }
0x42: {  	_ =	shalt  }
0x43: {  	_ =	shalt  }
0x44: {  	_ =	shalt  }
0x45: {  	_ =	shalt  }
0x46: {  	_ =	shalt  }
0x47: {  	_ =	shalt  }
0x48: {  	_ =	shalt  }
0x49: {  	_ =	shalt  }
0x4a: {  	_ =	shalt  }
0x4b: {  	_ =	shalt  }
0x4c: {  	_ =	shalt  }
0x4d: {  	_ =	shalt  }
0x4e: {  	_ =	shalt  }
0x4f: {  	_ =	shalt  }
0x50: {  	_ =	shalt  }
0x51: {  	_ =	shalt  }
0x52: {  	_ =	shalt  }
0x53: {  	_ =	shalt  }
0x54: {  	_ =	shalt  }
0x55: {  	_ =	shalt  }
0x56: {  	_ =	shalt  }
0x57: {  	_ =	shalt  }
0x58: {  	_ =	shalt  }
0x59: {  	_ =	shalt  }
0x5a: {  	_ =	shalt  }
0x5b: {  	_ =	shalt  }
0x5c: {  	_ =	shalt  }
0x5d: {  	_ =	shalt  }
0x5e: {  	_ =	shalt  }
0x5f: {  	_ =	shalt  }
0x60: {  	_ =	shalt  }
0x61: {  	_ =	shalt  }
0x62: {  	_ =	shalt  }
0x63: {  	_ =	shalt  }
0x64: {  	_ =	shalt  }
0x65: {  	_ =	shalt  }
0x66: {  	_ =	shalt  }
0x67: {  	_ =	shalt  }
0x68: {  	_ =	shalt  }
0x69: {  	_ =	shalt  }
0x6a: {  	_ =	shalt  }
0x6b: {  	_ =	shalt  }
0x6c: {  	_ =	shalt  }
0x6d: {  	_ =	shalt  }
0x6e: {  	_ =	shalt  }
0x6f: {  	_ =	shalt  }
0x70: {  	_ =	shalt  }
0x71: {  	_ =	shalt  }
0x72: {  	_ =	shalt  }
0x73: {  	_ =	shalt  }
0x74: {  	_ =	shalt  }
0x75: {  	_ =	shalt  }
0x76: {  	_ =	shalt  }
0x77: {  	_ =	shalt  }
0x78: {  	_ =	shalt  }
0x79: {  	_ =	shalt  }
0x7a: {  	_ =	shalt  }
0x7b: {  	_ =	shalt  }
0x7c: {  	_ =	shalt  }
0x7d: {  	_ =	shalt  }
0x7e: {  	_ =	shalt  }
0x7f: {  	_ =	shalt  }
0x80: {  	_ =	shalt  }
0x81: {  	_ =	shalt  }
0x82: {  	_ =	shalt  }
0x83: {  	_ =	shalt  }
0x84: {  	_ =	shalt  }
0x85: {  	_ =	shalt  }
0x86: {  	_ =	shalt  }
0x87: {  	_ =	shalt  }
.Lfunc_end0:
.L_simem_size_0:
called_computation.2_lowered:
.L_overlay_start_0:
0x88: {  	s2 =	sld [smem:$0x3FD9]  }
0x89: {  	s3 =	sld [smem:$0x3FFE];
	_ =	sdelay $0x1  }
0x8a: {  	s1 =	srdreg.scid  }
0x8b: {  	s0 =	sand.u32 $0x1, s1  }
0x8c: {  	s16 =	sshll.u32 s0, $0xA;
	s2 =	sadd.s32 s3, s2  }
0x8d: {  	s2 =	sadd.s32 s2, s16  }
0x8e: {  	[smem:$0x3FBF] =	sst s2  }
0x8f: {  	_ = 	snop  }
0x90: {  	(tm) =	ssettm $0x1  }
0x91: {  	s17 =	sld [smem:$0x3FFB];
	_ =	sdelay $0x3  }
0x92: {  	_ =	strace s17  }
0x93: {  	s2 =	sld [smem:$0x3FFC];
	_ =	sdelay $0x3  }
0x94: {  	_ =	strace s2  }
0x95: {  	s2 =	sld [smem:$0x3FFD];
	_ =	sdelay $0x3  }
0x96: {  	_ =	strace s2  }
0x97: {  	_ =	strace $0x8FFFFFFF  }
0x98: {  	s18 =	sld [smem:$0x3FDB];
	_ =	sdelay $0x1  }
0x99: {  	s19 =	simm.s32 $_scs_section_size  }
0x9a: {  	s4 =	simm.s32 $_size__tile_overlayer_lowered;
	s5 =	simm.s32 $_tile_overlayer_lowered  }
0x9b: {  	s22 =	simm.s32 $0x1BFF;
	s21 =	sshll.u32 s5, $0x1;
	s2 =	sadd.s32 s19, s18  }
0x9c: {  	s6 =	simm.s32 $0x0;
	s20 =	sshll.u32 s4, $0x1;
	s4 =	sadd.s32 s21, s2  }
0x9d: {  	[timem:s6], [sflag:s22] =	dma.local [hbm:s4], s20  }
0x9e: {  	_ =	swait.ge [sflag:s22], s20  }
0x9f: {  	s3 =	ssub.s32 $0x0, s20;
	[sflag:s22] =	ssyncset.done $0x0  }
0xa0: {  	[sflag:s22] =	ssyncadd.s32 s3;
	_ =	sdelay $0x1  }
0xa1: {  	s23 =	simm.s32 $0x1B8B  }
0xa2: {  	_ =	swait.ge [sflag:s23], $0x1  }
0xa3: {  	[sflag:s23] =	ssyncset.done $0x0  }
0xa4: {  	s25 =	simm.s32 $0x1B8E;
	s24 =	sld [smem:$0x3FFE];
	[sflag:s23] =	ssyncadd.s32 $0xFFFFFFFF  }
0xa5: {  	s26 =	simm.s32 $execute0_lowered;
	[smem:$0x3FD2] =	sst s25  }
0xa6: {  	s4 =	sshll.u32 s26, $0x1;
	_ =	strace $0x8000004C;
	[dreg:$0x1] =	wrdreg $0xFFFFFFFF  }
0xa7: {  	s28 =	simm.s32 $_size_execute0_lowered;
	s2 =	sadd.s32 s2, s4;
	[dreg:$0x0] =	wrdreg $0x0  }
0xa8: {  	s4 =	sshll.u32 s28, $0x1;
	[dreg:$0x2] =	wrdreg s2  }
0xa9: {  	[dreg:$0x3] =	wrdreg s4  }
0xaa: {  	[dreg:$0x4] =	wrdreg $0xC0  }
0xab: {  	_ =	task [dreg:s6], $0x5FFFF  }
0xac: {  	[dreg:$0x1] =	wrdreg $0xFFFFFFFF  }
0xad: {  	[dreg:$0x0] =	wrdreg $0x60  }
0xae: {  	[dreg:$0x2] =	wrdreg s24  }
0xaf: {  	[dreg:$0x3] =	wrdreg $0x0  }
0xb0: {  	[dreg:$0x4] =	wrdreg $0x9  }
0xb1: {  	_ =	task.clear_ibuf [dreg:s6], $0x5FFFF;
	_ =	strace $0x9000004C  }
0xb2: {  	s29 =	simm.s32 $0x9;
	_ =	strace $0x8000004E  }
0xb3: {  	_ =	swait.ge [sflag:s29], $0x1  }
0xb4: {  	[sflag:s29] =	ssyncadd.s32 $0xFFFFFFFF  }
0xb5: {  	_ =	strace $0x9000004E  }
0xb6: {  	_ =	sfence  }
0xb7: {  	s30 =	sld [smem:$0x0];
	_ =	sdelay $0x2  }
0xb8: {  	s31 =	sshll.u32 s1, $0xD;
	s1 =	sshrl.u32 s1, $0x2  }
0xb9: {  	s3 =	sand.u32 $0x4000, s31;
	s1 =	sadd.s32 s1, s30  }
0xba: {  	s0 =	sor.u32 s3, s0;
	s1 =	sshll.u32 s1, $0x11  }
0xbb: {  	s0 =	sor.u32 s1, s0  }
0xbc: {  	s0 =	sadd.s32 $0x8F2B, s0  }
0xbd: {  	[sflag:s0] =	ssyncadd.remote.s32 $0x1  }
0xbe: {  	_ =	sfence.sel $0xFFFF  }
0xbf: {  	[dreg:$0x0] =	wrdreg $0xFFFFFFFF;
	(pc) =	sbr.abs _section_cstart, $3  }
0xc0: {  	[dreg:$0x1] =	wrdreg $0xFFFFFFFF  }
0xc1: {  	_ =	task.clear_ibuf [dreg:s6], $0x2FFFF;
	_ =	strace $0x9FFFFFFF  }
0xc2: {  	(tm) =	ssettm $0x7FFFFFFF  }
0xc3: {  	_ =	shalt  }
tec
execute0_lowered:
.L_overlay_start_1:
0x0: {  	(tag) =	ssettag $0x1  }
0x1: {  	s8 =	rddreg [dreg:$0x0]  }
0x2: {  	s1 =	rddreg [dreg:$0x1]  }
0x3: {  	s2 =	srdreg.scid;
	s0 =	rddreg [dreg:$0x2]  }
0x4: {  	s3 =	simm.s32 $0x0;
	s16 =	simm.s32 $0x14000;
	s17 =	simm.s32 $0x2  }
0x5: {  	s18 =	simm.s32 $0x18000;
	s19 =	simm.s32 $0x18080;
	s20 =	simm.s32 $0x18100  }
0x6: {  	s21 =	simm.s32 $0x80;
	s22 =	simm.s32 $0x1;
	s9 =	sand.u32 $0x1, s2  }
0x7: {  	s2 =	stileid.u32;
	[smem:$0x7FF] =	sst s3;
	s4 =	sadd.s32 $0x20600, s8  }
0x8: {  	s5 =	sadd.s32 $0x16800, s8;
	s6 =	sadd.s32 $0x2C00, s8;
	s7 =	smul.u32 $0x140000, s9  }
0x9: {  	s10 =	smul.u32 $0x14000, s2;
	_ =	strace $0x8000004D;
	s12 =	ssub.s32 $0x2, s9  }
0xa: {  	s11 =	smul.u32 $0x50000, s2;
	s31 =	sshll.u32 s2, $0x1;
	s29 =	sshrl.u32 s12, $0x1  }
0xb: {  	s13 =	sor.u32 s9, s31;
	s10 =	sadd.s32 s10, s7;
	s7 =	sadd.s32 $0xCA00, s8  }
0xc: {  	s30 =	sshrl.u32 s11, $0x2;
	s15 =	ssub.s32 s12, s29;
	s10 =	sshrl.u32 s10, $0x3  }
0xd: {  	s13 =	smul.u32 $0x4F, s13;
	s14 =	sadd.s32 s10, s8;
	s8 =	sadd.s32 s30, s1  }
0xe: {  	s15 =	smax.u32 s15, $0x1;
	s9 =	sadd.s32 $0x4000, s8;
	s10 =	sadd.s32 $0x8000, s8  }
0xf: {  	v0 =	vimm.f32 $0.0e+00;
	s11 =	sadd.s32 $0xC000, s8;
	s12 =	sadd.s32 $0x10000, s8;
	s14 =	sadd.s32 $0x48600, s14  }
.LBB2_1:
0x10: {  	s23 =	simm.s32 $0x0;
	s24 =	simm.s32 $0x200  }
.LBB2_2:
0x11: {  	p0 =	sne.s32 s24, $0xFE00;
	[tilespmem:s23+$0x14070] =	vst v0  }
0x12: {  	[tilespmem:s23+$0x14000] =	vst v0  }
0x13: {  	[tilespmem:s23+$0x14010] =	vst v0  }
.Ltmp0:
0x14: {  	[tilespmem:s23+$0x14020] =	vst v0;
	(pc) =	sbr.rel @p0 .LBB2_2-.Ltmp0, $4  }
0x15: {  	[tilespmem:s23+$0x14030] =	vst v0  }
0x16: {  	[tilespmem:s23+$0x14040] =	vst v0  }
0x17: {  	[tilespmem:s23+$0x14050] =	vst v0  }
0x18: {  	[tilespmem:s23+$0x14060] =	vst v0;
	s23 =	sshra.s32 s24, $0x2;
	s24 =	sadd.s32 $0x200, s24  }
0x19: {  	[tilespmem:s23+$0x14070] =	vst v0  }
0x1a: {  	[tilespmem:s23+$0x14000] =	vst v0  }
0x1b: {  	[tilespmem:s23+$0x14010] =	vst v0  }
0x1c: {  	[tilespmem:s23+$0x14020] =	vst v0  }
0x1d: {  	[tilespmem:s23+$0x14030] =	vst v0  }
0x1e: {  	[tilespmem:s23+$0x14040] =	vst v0  }
0x1f: {  	[tilespmem:s23+$0x14050] =	vst v0  }
0x20: {  	[tilespmem:s23+$0x14060] =	vst v0  }
0x21: {  	[spmem:s8] =	stream.linear.scatter [tilespmem:s16], [sflag:$0x2], $0x4000, $0x38;
	[tilespmem:$0x18180] =	vst v63  }
0x22: {  	_ =	swait.ge [sflag:s17], $0x4000  }
0x23: {  	[sflag:s17] =	ssyncset.done $0x0  }
0x24: {  	[sflag:s17] =	ssyncadd.s32 $0xFFFFC000  }
0x25: {  	[spmem:s9] =	stream.linear.scatter [tilespmem:s16], [sflag:$0x2], $0x4000, $0x38;
	[tilespmem:$0x18180] =	vst v63  }
0x26: {  	_ =	swait.ge [sflag:s17], $0x4000  }
0x27: {  	[sflag:s17] =	ssyncset.done $0x0  }
0x28: {  	[sflag:s17] =	ssyncadd.s32 $0xFFFFC000  }
0x29: {  	[spmem:s10] =	stream.linear.scatter [tilespmem:s16], [sflag:$0x2], $0x4000, $0x38;
	[tilespmem:$0x18180] =	vst v63  }
0x2a: {  	_ =	swait.ge [sflag:s17], $0x4000  }
0x2b: {  	[sflag:s17] =	ssyncset.done $0x0  }
0x2c: {  	[sflag:s17] =	ssyncadd.s32 $0xFFFFC000  }
0x2d: {  	[spmem:s11] =	stream.linear.scatter [tilespmem:s16], [sflag:$0x2], $0x4000, $0x38;
	[tilespmem:$0x18180] =	vst v63  }
0x2e: {  	_ =	swait.ge [sflag:s17], $0x4000  }
0x2f: {  	[sflag:s17] =	ssyncset.done $0x0  }
0x30: {  	[sflag:s17] =	ssyncadd.s32 $0xFFFFC000  }
0x31: {  	[spmem:s12] =	stream.linear.scatter [tilespmem:s16], [sflag:$0x2], $0x4000, $0x38;
	[tilespmem:$0x18180] =	vst v63  }
0x32: {  	_ =	swait.ge [sflag:s17], $0x4000  }
0x33: {  	[sflag:s17] =	ssyncset.done $0x0  }
0x34: {  	[sflag:s17] =	ssyncadd.s32 $0xFFFFC000  }
0x35: {  	s23 =	simm.s32 $0x0;
	s24 =	simm.s32 $0x0;
	[bflag:$0x0] =	sbarrier.arrive $0xFFFF  }
.LBB2_4:
0x36: {  	s25 =	sadd.s32 s13, s24  }
0x37: {  	s25 =	sshll.u32 s25, $0x4  }
0x38: {  	s26 =	sadd.s32 s5, s25  }
0x39: {  	[tilespmem:s18], [sflag:$0x2] =	stream.linear.gather [hbm4b:s26+s23], $0x80, $0x38;
	[tilespmem:$0x18180] =	vst v63  }
0x3a: {  	_ =	swait.ge [sflag:s17], $0x80  }
0x3b: {  	[sflag:s17] =	ssyncset.done $0x0  }
0x3c: {  	s31 =	sadd.s32 s6, s25;
	[sflag:s17] =	ssyncadd.s32 $0xFFFFFF80  }
0x3d: {  	[tilespmem:s19], [sflag:$0x2] =	stream.linear.gather [hbm4b:s31+s23], $0x80, $0x38;
	[tilespmem:$0x18180] =	vst v63  }
0x3e: {  	_ =	swait.ge [sflag:s17], $0x80  }
0x3f: {  	[sflag:s17] =	ssyncset.done $0x0  }
0x40: {  	s25 =	sadd.s32 s7, s25;
	[sflag:s17] =	ssyncadd.s32 $0xFFFFFF80  }
0x41: {  	[tilespmem:s20], [sflag:$0x2] =	stream.linear.gather [hbm4b:s25+s23], $0x80, $0x38;
	[tilespmem:$0x18180] =	vst v63  }
0x42: {  	_ =	swait.ge [sflag:s17], $0x80  }
0x43: {  	[sflag:s17] =	ssyncset.done $0x0  }
0x44: {  	[sflag:s17] =	ssyncadd.s32 $0xFFFFFF80  }
0x45: {  	[tilespmem:s16], [sflag:$0x1] =	stream.indirect.gather [hbm4b:s4+s21], $0x80, s18, s21, $0xb8;
	[tilespmem:$0x18180] =	vst v63  }
0x46: {  	_ =	swait.ge [sflag:s22], $0x4000  }
0x47: {  	v1 =	vmov s23;
	[sflag:s22] =	ssyncset.done $0x0  }
0x48: {  	s25 =	simm.s32 $0x14040;
	[sflag:s22] =	ssyncadd.s32 $0xFFFFC000  }
0x49: {  	v5 =	vld [tilespmem:s25+$0x30]  }
0x4a: {  	v8 =	vld [tilespmem:s25+$0x10]  }
0x4b: {  	v6 =	vld [tilespmem:s25+$0xFFFFFFC0]  }
0x4c: {  	v2 =	vld.idx.msk [tilespmem:v1+s20+$0x0], $0xffff  }
0x4d: {  	v10 =	vld [tilespmem:s25+$0xFFFFFFE0]  }
0x4e: {  	v1 =	vld [tilespmem:s25+$0xFFFFFFF0]  }
0x4f: {  	v3 =	vld [tilespmem:s25+$0x20]  }
0x50: {  	v4 =	vld [tilespmem:s25+$0xFFFFFFD0]  }
0x51: {  	v9 =	vmul.f32 v5, v2;
	v5 =	vld [tilespmem:s25+$0x0]  }
0x52: {  	v7 =	vmul.f32 v6, v2  }
0x53: {  	s28 =	simm.s32 $0x14040;
	s26 =	simm.s32 $0x1;
	v6 =	vmul.f32 v10, v2;
	v8 =	vmul.f32 v8, v2  }
.LBB2_5:
0x54: {  	p0 =	sne.s32 s26, $0x7F  }
0x55: {  	v4 =	vmul.f32 v4, v2;
	v3 =	vmul.f32 v3, v2;
	[tilespmem:s25+$0x30] =	vst v9;
	s28 =	sadd.s32 $0x80, s28;
	s29 =	smov.u32 s26;
	s26 =	sadd.s32 $0x1, s26  }
0x56: {  	[tilespmem:s25+$0xFFFFFFC0] =	vst v7;
	v7 =	vmul.f32 v1, v2;
	v2 =	vmul.f32 v5, v2  }
0x57: {  	[tilespmem:s25+$0x10] =	vst v8  }
0x58: {  	v5 =	vmov s29;
	[tilespmem:s25+$0xFFFFFFE0] =	vst v6  }
0x59: {  	v1 =	vld [tilespmem:s28+$0xFFFFFFF0];
	[tilespmem:s25+$0xFFFFFFF0] =	vst v7  }
0x5a: {  	v6 =	vld [tilespmem:s28+$0x30];
	[tilespmem:s25+$0x0] =	vst v2  }
0x5b: {  	v8 =	vld [tilespmem:s28+$0x10];
	[tilespmem:s25+$0x20] =	vst v3  }
0x5c: {  	v7 =	vld [tilespmem:s28+$0xFFFFFFC0];
	[tilespmem:s25+$0xFFFFFFD0] =	vst v4;
	s25 =	smov.u32 s28  }
0x5d: {  	v2 =	vld.idx.msk [tilespmem:v5+s20+$0x0], $0xffff  }
0x5e: {  	v10 =	vld [tilespmem:s28+$0xFFFFFFE0]  }
0x5f: {  	v3 =	vld [tilespmem:s28+$0x20]  }
.Ltmp1:
0x60: {  	v4 =	vld [tilespmem:s28+$0xFFFFFFD0];
	(pc) =	sbr.rel @p0 .LBB2_5-.Ltmp1, $3  }
0x61: {  	v5 =	vld [tilespmem:s28+$0x0];
	_ =	sdelay $0x1  }
0x62: {  	v7 =	vmul.f32 v7, v2;
	v9 =	vmul.f32 v6, v2  }
0x63: {  	v8 =	vmul.f32 v8, v2;
	v6 =	vmul.f32 v10, v2  }
0x64: {  	[tilespmem:s25+$0x30] =	vst v9  }
0x65: {  	[tilespmem:s25+$0xFFFFFFC0] =	vst v7  }
0x66: {  	v1 =	vmul.f32 v1, v2;
	[tilespmem:s25+$0x10] =	vst v8  }
0x67: {  	v3 =	vmul.f32 v3, v2;
	[tilespmem:s25+$0xFFFFFFE0] =	vst v6  }
0x68: {  	v5 =	vmul.f32 v5, v2;
	[tilespmem:s25+$0xFFFFFFF0] =	vst v1  }
0x69: {  	s24 =	sadd.s32 $0x1, s24;
	v1 =	vmul.f32 v4, v2;
	[tilespmem:s25+$0x20] =	vst v3  }
0x6a: {  	p0 =	sne.s32 s24, $0x4F;
	[tilespmem:s25+$0x0] =	vst v5  }
.Ltmp2:
0x6b: {  	[tilespmem:s25+$0xFFFFFFD0] =	vst v1;
	(pc) =	sbr.rel @p0 .LBB2_4-.Ltmp2, $4  }
0x6c: {  	[spmem:s1] =	stream.indirect.scatter.add.f32 [tilespmem:s16], [sflag:$0x2], $0x80, s19, s21, $0xb8;
	[tilespmem:$0x18180] =	vst v63  }
0x6d: {  	_ =	swait.ge [sflag:s17], $0x4000  }
0x6e: {  	[sflag:s17] =	ssyncset.done $0x0  }
0x6f: {  	[sflag:s17] =	ssyncadd.s32 $0xFFFFC000  }
0x70: {  	s3 =	sadd.s32 $0x1, s3  }
0x71: {  	s23 =	sshll.u32 s2, $0x6;
	[bflag:$0x0] =	sbarrier.arrive $0xFFFF;
	p0 =	sne.s32 s3, s15  }
.Ltmp3:
0x72: {  	s24 =	sshrl.u32 s8, $0x3;
	s23 =	sor.u32 $0x1C02, s23;
	(pc) =	sbr.rel @p0 .LBB2_1-.Ltmp3, $4  }
0x73: {  	[hbm:s14], [sflag:s23] =	dma.local [spmem:s24], $0x2800  }
0x74: {  	_ =	swait.ge [sflag:s17], $0x2800  }
0x75: {  	[sflag:s17] =	ssyncset.done $0x0  }
0x76: {  	[sflag:s17] =	ssyncadd.s32 $0xFFFFD800  }
0x77: {  	_ =	sfence.sel $0x180000  }
0x78: {  	[bflag:$0x0] =	sbarrier.arrive $0xFFFF  }
0x79: {  	p0 =	sne.s32 s2, $0x0;
	_ =	strace $0x9000004D  }
0x7a: {  	s0 =	sadd.s32 @!p0 $0x100000, s0;
	[bflag:$0x2] =	sbarrier.arrive $0xFFFF  }
0x7b: {  	[sflag:s0] =	ssyncadd.tile.s32 @!p0 $0x1;
	_ =	shalt  }
.Lfunc_end2:
_tile_overlayer_lowered:
.L_overlay_start_2:
0x7c: {  	(tag) =	ssettag $0x2  }
0x7d: {  	s0 =	rddreg [dreg:$0x0];
	s2 =	stileid.u32  }
0x7e: {  	s1 =	rddreg [dreg:$0x1];
	p0 =	sne.s32 s2, $0x0  }
0x7f: {  	s3 =	rddreg [dreg:$0x2];
	[bflag:$0x3] =	sbarrier.arrive $0xFFFF;
	s2 =	simm.s32 @!p0 $0x1C02  }
0x80: {  	[timem:s3], [sflag:s2] =	dma.local @!p0 [hbm:s0], s1  }
0x81: {  	s0 =	simm.s32 @!p0 $0x2  }
0x82: {  	_ =	swait.ge @!p0 [sflag:s0], s1  }
0x83: {  	s1 =	ssub.s32 @!p0 $0x0, s1;
	[sflag:s0] =	ssyncset.done @!p0 $0x0  }
0x84: {  	[sflag:s0] =	ssyncadd.s32 @!p0 s1  }
0x85: {  	[bflag:$0x3] =	sbarrier.arrive $0xFFFF  }
0x86: {  	_ =	shalt  }

// kernel: kernel.8.cloned.1.call-start
scs
__scs_entry_jumppad:
0x0: {  	(pc) =	sbr.rel $0x88, $3  }
0x1: {  	(tag) =	ssettag $0x0;
	lr =	simm.s32 $0x1  }
0x2: {  	[smem:$0x3F98] =	sst lr;
	_ =	strace $0xD0000000  }
0x3: {  	_ = 	snop  }
0x4: {  	_ = 	snop  }
0x5: {  	_ = 	snop  }
0x6: {  	_ = 	snop  }
0x7: {  	_ = 	snop  }
__scs_overlays_trampoline_lowered:
0x8: {  	[smem:$0x3FA7] =	sst s0  }
0x9: {  	[smem:$0x3FA8] =	sst s1  }
0xa: {  	[smem:$0x3FA9] =	sst s2  }
0xb: {  	[smem:$0x3FAA] =	sst s3  }
0xc: {  	[smem:$0x3FAB] =	sst s4  }
0xd: {  	[smem:$0x3FAC] =	sst s5  }
0xe: {  	[smem:$0x3FAD] =	sst s6  }
0xf: {  	[smem:$0x3FAE] =	sst s7  }
0x10: {  	[smem:$0x3FAF] =	sst s8  }
0x11: {  	[smem:$0x3FB0] =	sst s9;
	s0 =	simm.s32 @!p0 $0x0  }
0x12: {  	s1 =	sld [smem:$0x3F96];
	s0 =	simm.s32 @p0 $0x1  }
0x13: {  	[smem:$0x3FB1] =	sst s0;
	s0 =	simm.s32 @!p1 $0x0  }
0x14: {  	s2 =	sld [smem:$0x3F95];
	s0 =	simm.s32 @p1 $0x1  }
0x15: {  	[smem:$0x3FB2] =	sst s0;
	s0 =	simm.s32 @!p2 $0x0  }
0x16: {  	s3 =	sld [smem:$0x3FDB];
	s0 =	simm.s32 @p2 $0x1  }
0x17: {  	s4 =	simm.s32 $0x1BF5;
	[smem:$0x3FB4] =	sst s0  }
0x18: {  	s0 =	sld [smem:$0x3F97];
	_ =	swait.ge [sflag:s4], $0x0  }
0x19: {  	s7 =	sld [smem:$0x3F98]  }
0x1a: {  	s8 =	sadd.s32 $0xFFFFE003, lr  }
0x1b: {  	s9 =	sadd.s32 $0xFFFFFEF7, lr;
	s5 =	simm.s32 $0xFFFFFFFF;
	p2 =	slt.u32 s8, $0xFFFFF086  }
0x1c: {  	p1 =	slt.u32 s9, $0xF7A;
	s5 =	simm.s32 @!p2 $0x0  }
0x1d: {  	s5 =	simm.s32 @p1 $0x1;
	p0 =	seq.s32 s7, s2  }
0x1e: {  	s7 =	smul.u32 @!p0 $0xF7A, s2;
	p2 =	seq.s32 @!p0 s5, $0x0  }
0x1f: {  	s9 =	smul.u32 $0xF7A, s1;
	s8 =	simm.s32 @!p0 $0x1BF5;
	p2 =	por !p2, p0  }
0x20: {  	[sflag:s8] =	ssyncset.s32 @!p0 $0xFFFFF086;
	s6 =	sadd.s32 @!p0 s3, s7;
	s7 =	simm.s32 @!p0 $0x108  }
0x21: {  	s3 =	sadd.s32 s3, s9;
	s6 =	sadd.s32 @!p0 $0x88, s6;
	s7 =	simm.s32 @p2 $0x1082  }
0x22: {  	[simem:s7], [sflag:s8] =	dma.local @!p0 [hbm:s6], $0xF7A  }
0x23: {  	s9 =	sor.u32 $0xD0000000, s2;
	s6 =	simm.s32 $0x108;
	_ =	swait.ge @!p0 [sflag:s8], $0x0  }
0x24: {  	s3 =	sadd.s32 $0x88, s3;
	s6 =	simm.s32 @!p1 $0x1082;
	[sflag:s4] =	ssyncset.s32 $0xFFFFF086  }
0x25: {  	[simem:s6], [sflag:s4] =	dma.local [hbm:s3], $0xF7A  }
0x26: {  	[smem:$0x3F98] =	sst s1;
	(tag) =	ssettag s2;
	_ =	strace s9  }
0x27: {  	s1 =	sld [smem:$0x3FA8]  }
0x28: {  	s2 =	sld [smem:$0x3FA9]  }
0x29: {  	s4 =	sld [smem:$0x3FAB]  }
0x2a: {  	p0 =	seq.s32 s5, $0x0;
	s5 =	sld [smem:$0x3FAC]  }
0x2b: {  	s6 =	sld [smem:$0x3FAD]  }
0x2c: {  	s7 =	sld [smem:$0x3FAE]  }
0x2d: {  	s3 =	simm.s32 $0x108;
	s8 =	sld [smem:$0x3FAF]  }
0x2e: {  	s3 =	simm.s32 @!p0 $0x1082;
	s9 =	sld [smem:$0x3FB0]  }
0x2f: {  	lr =	sadd.s32 s0, s3;
	s0 =	sld [smem:$0x3FA7]  }
0x30: {  	s3 =	sld [smem:$0x3FAA]  }
0x31: {  	[smem:$0x3FB3] =	sst s10  }
0x32: {  	s10 =	sld [smem:$0x3FB1];
	_ =	sdelay $0x3  }
0x33: {  	p0 =	seq.s32 s10, $0x1;
	s10 =	sld [smem:$0x3FB3];
	_ =	sdelay $0x3  }
0x34: {  	[smem:$0x3FB3] =	sst s10  }
0x35: {  	s10 =	sld [smem:$0x3FB2];
	_ =	sdelay $0x3  }
0x36: {  	p1 =	seq.s32 s10, $0x1;
	s10 =	sld [smem:$0x3FB3];
	_ =	sdelay $0x3  }
0x37: {  	[smem:$0x3FB3] =	sst s10  }
0x38: {  	s10 =	sld [smem:$0x3FB4]  }
0x39: {  	_ = 	snop;
	(pc) =	sbr.ind lr, $3  }
0x3a: {  	_ = 	snop  }
0x3b: {  	_ = 	snop  }
0x3c: {  	p2 =	seq.s32 s10, $0x1;
	s10 =	sld [smem:$0x3FB3]  }
0x3d: {  	_ =	shalt  }
0x3e: {  	_ =	shalt  }
0x3f: {  	_ =	shalt  }
0x40: {  	_ =	shalt  }
0x41: {  	_ =	shalt  }
0x42: {  	_ =	shalt  }
0x43: {  	_ =	shalt  }
0x44: {  	_ =	shalt  }
0x45: {  	_ =	shalt  }
0x46: {  	_ =	shalt  }
0x47: {  	_ =	shalt  }
0x48: {  	_ =	shalt  }
0x49: {  	_ =	shalt  }
0x4a: {  	_ =	shalt  }
0x4b: {  	_ =	shalt  }
0x4c: {  	_ =	shalt  }
0x4d: {  	_ =	shalt  }
0x4e: {  	_ =	shalt  }
0x4f: {  	_ =	shalt  }
0x50: {  	_ =	shalt  }
0x51: {  	_ =	shalt  }
0x52: {  	_ =	shalt  }
0x53: {  	_ =	shalt  }
0x54: {  	_ =	shalt  }
0x55: {  	_ =	shalt  }
0x56: {  	_ =	shalt  }
0x57: {  	_ =	shalt  }
0x58: {  	_ =	shalt  }
0x59: {  	_ =	shalt  }
0x5a: {  	_ =	shalt  }
0x5b: {  	_ =	shalt  }
0x5c: {  	_ =	shalt  }
0x5d: {  	_ =	shalt  }
0x5e: {  	_ =	shalt  }
0x5f: {  	_ =	shalt  }
0x60: {  	_ =	shalt  }
0x61: {  	_ =	shalt  }
0x62: {  	_ =	shalt  }
0x63: {  	_ =	shalt  }
0x64: {  	_ =	shalt  }
0x65: {  	_ =	shalt  }
0x66: {  	_ =	shalt  }
0x67: {  	_ =	shalt  }
0x68: {  	_ =	shalt  }
0x69: {  	_ =	shalt  }
0x6a: {  	_ =	shalt  }
0x6b: {  	_ =	shalt  }
0x6c: {  	_ =	shalt  }
0x6d: {  	_ =	shalt  }
0x6e: {  	_ =	shalt  }
0x6f: {  	_ =	shalt  }
0x70: {  	_ =	shalt  }
0x71: {  	_ =	shalt  }
0x72: {  	_ =	shalt  }
0x73: {  	_ =	shalt  }
0x74: {  	_ =	shalt  }
0x75: {  	_ =	shalt  }
0x76: {  	_ =	shalt  }
0x77: {  	_ =	shalt  }
0x78: {  	_ =	shalt  }
0x79: {  	_ =	shalt  }
0x7a: {  	_ =	shalt  }
0x7b: {  	_ =	shalt  }
0x7c: {  	_ =	shalt  }
0x7d: {  	_ =	shalt  }
0x7e: {  	_ =	shalt  }
0x7f: {  	_ =	shalt  }
0x80: {  	_ =	shalt  }
0x81: {  	_ =	shalt  }
0x82: {  	_ =	shalt  }
0x83: {  	_ =	shalt  }
0x84: {  	_ =	shalt  }
0x85: {  	_ =	shalt  }
0x86: {  	_ =	shalt  }
0x87: {  	_ =	shalt  }
.Lfunc_end0:
.L_simem_size_0:
called_computation_lowered:
.L_overlay_start_0:
0x88: {  	s2 =	sld [smem:$0x3FD9]  }
0x89: {  	s3 =	sld [smem:$0x3FFE];
	_ =	sdelay $0x1  }
0x8a: {  	s1 =	srdreg.scid  }
0x8b: {  	s0 =	sand.u32 $0x1, s1  }
0x8c: {  	s17 =	sshll.u32 s0, $0xA;
	s2 =	sadd.s32 s3, s2  }
0x8d: {  	s2 =	sadd.s32 s2, s17  }
0x8e: {  	[smem:$0x3FBF] =	sst s2  }
0x8f: {  	_ = 	snop  }
0x90: {  	s2 =	sld [smem:$0x3FD0];
	(tm) =	ssettm $0x1  }
0x91: {  	s18 =	sld [smem:$0x3FFB];
	_ =	sdelay $0x3  }
0x92: {  	_ =	strace s18  }
0x93: {  	s3 =	sld [smem:$0x3FFC];
	_ =	sdelay $0x3  }
0x94: {  	_ =	strace s3  }
0x95: {  	s3 =	sld [smem:$0x3FFD];
	_ =	sdelay $0x3  }
0x96: {  	_ =	strace s3  }
0x97: {  	_ =	strace $0x8FFFFFFF  }
0x98: {  	s19 =	sld [smem:$0x3FDB];
	_ =	sdelay $0x1  }
0x99: {  	s4 =	simm.s32 $_scs_section_size  }
0x9a: {  	s5 =	simm.s32 $_size__tile_overlayer_lowered;
	s6 =	simm.s32 $_tile_overlayer_lowered  }
0x9b: {  	s22 =	simm.s32 $0x1BFF;
	s21 =	sshll.u32 s6, $0x1;
	s3 =	sadd.s32 s4, s19  }
0x9c: {  	s7 =	simm.s32 $0x0;
	s20 =	sshll.u32 s5, $0x1;
	s5 =	sadd.s32 s21, s3  }
0x9d: {  	[timem:s7], [sflag:s22] =	dma.local [hbm:s5], s20  }
0x9e: {  	_ =	swait.ge [sflag:s22], s20  }
0x9f: {  	s4 =	ssub.s32 $0x0, s20;
	[sflag:s22] =	ssyncset.done $0x0  }
0xa0: {  	[sflag:s22] =	ssyncadd.s32 s4;
	_ =	sdelay $0x1  }
0xa1: {  	s23 =	simm.s32 $0x1B8B  }
0xa2: {  	_ =	swait.ge [sflag:s23], $0x1  }
0xa3: {  	[sflag:s23] =	ssyncset.done $0x0  }
0xa4: {  	s25 =	simm.s32 $0x1B8E;
	s24 =	sld [smem:$0x3FFE];
	[sflag:s23] =	ssyncadd.s32 $0xFFFFFFFF  }
0xa5: {  	s26 =	simm.s32 $execute0_lowered;
	[smem:$0x3FD2] =	sst s25  }
0xa6: {  	s5 =	sshll.u32 s26, $0x1;
	_ =	strace $0x80000046;
	[dreg:$0x1] =	wrdreg $0xFFFFFFFF  }
0xa7: {  	s28 =	simm.s32 $_size_execute0_lowered;
	s3 =	sadd.s32 s3, s5;
	[dreg:$0x0] =	wrdreg $0x0  }
0xa8: {  	s5 =	sshll.u32 s28, $0x1;
	[dreg:$0x2] =	wrdreg s3  }
0xa9: {  	[dreg:$0x3] =	wrdreg s5  }
0xaa: {  	[dreg:$0x4] =	wrdreg $0xC0  }
0xab: {  	_ =	task [dreg:s7], $0x5FFFF  }
0xac: {  	[dreg:$0x1] =	wrdreg $0xFFFFFFFF  }
0xad: {  	[dreg:$0x0] =	wrdreg $0x60  }
0xae: {  	[dreg:$0x2] =	wrdreg s24  }
0xaf: {  	[dreg:$0x3] =	wrdreg s2  }
0xb0: {  	[dreg:$0x4] =	wrdreg $0x9  }
0xb1: {  	_ =	task.clear_ibuf [dreg:s7], $0x5FFFF;
	_ =	strace $0x90000046  }
0xb2: {  	s29 =	simm.s32 $0x9;
	_ =	strace $0x80000048  }
0xb3: {  	_ =	swait.ge [sflag:s29], $0x1  }
0xb4: {  	[sflag:s29] =	ssyncadd.s32 $0xFFFFFFFF  }
0xb5: {  	_ =	strace $0x90000048  }
0xb6: {  	_ =	sfence  }
0xb7: {  	s30 =	sld [smem:$0x0];
	_ =	sdelay $0x2  }
0xb8: {  	s31 =	sshll.u32 s1, $0xD;
	s1 =	sshrl.u32 s1, $0x2  }
0xb9: {  	s3 =	sand.u32 $0x4000, s31;
	s1 =	sadd.s32 s1, s30  }
0xba: {  	s0 =	sor.u32 s3, s0;
	s1 =	sshll.u32 s1, $0x11  }
0xbb: {  	s0 =	sor.u32 s1, s0  }
0xbc: {  	s0 =	sadd.s32 $0x8F2B, s0  }
0xbd: {  	[sflag:s0] =	ssyncadd.remote.s32 $0x1  }
0xbe: {  	_ =	sfence.sel $0xFFFF  }
0xbf: {  	[dreg:$0x0] =	wrdreg $0xFFFFFFFF;
	(pc) =	sbr.abs _section_cstart, $3  }
0xc0: {  	[dreg:$0x1] =	wrdreg $0xFFFFFFFF  }
0xc1: {  	_ =	task.clear_ibuf [dreg:s7], $0x2FFFF;
	_ =	strace $0x9FFFFFFF  }
0xc2: {  	(tm) =	ssettm $0x7FFFFFFF  }
0xc3: {  	_ =	shalt  }
tec
execute0_lowered:
.L_overlay_start_1:
0x0: {  	(tag) =	ssettag $0x1  }
0x1: {  	s3 =	rddreg [dreg:$0x0]  }
0x2: {  	s4 =	rddreg [dreg:$0x1]  }
0x3: {  	s0 =	rddreg [dreg:$0x2];
	s5 =	srdreg.scid  }
0x4: {  	s2 =	simm.s32 $0x0;
	s1 =	stileid.u32;
	s10 =	simm.s32 $0x80  }
0x5: {  	s11 =	simm.s32 $0x400;
	s12 =	simm.s32 $0x0;
	s5 =	sand.u32 $0x1, s5  }
0x6: {  	s6 =	sshrl.u32 s1, $0x2;
	s7 =	sshll.u32 s1, $0x8;
	s26 =	smul.u32 $0x9E0, s1  }
0x7: {  	[smem:$0x7FF] =	sst s2;
	s8 =	sshll.u32 s5, $0x7;
	s6 =	smul.u32 $0x14000, s6  }
0x8: {  	_ =	strace $0x80000047;
	s9 =	ssub.s32 $0x2, s5;
	s5 =	smul.u32 $0x4F0, s5  }
0x9: {  	s7 =	sor.u32 s8, s7;
	s28 =	sadd.s32 s26, s3;
	s29 =	sshrl.u32 s9, $0x1  }
0xa: {  	s8 =	simm.s32 $0x1;
	s7 =	sand.u32 $0x380, s7;
	s30 =	ssub.s32 s9, s29  }
0xb: {  	s31 =	sadd.s32 s5, s28;
	s9 =	simm.s32 $0x2880;
	s6 =	sor.u32 s6, s7  }
0xc: {  	s5 =	sadd.s32 $0xCA00, s31;
	s7 =	simm.s32 $0x2800;
	s6 =	sshrl.u32 s6, $0x3  }
0xd: {  	v0 =	vimm.f32 $0.0e+00;
	s3 =	sadd.s32 s4, s6;
	s4 =	smax.u32 s30, $0x1;
	s6 =	sadd.s32 $0x2C00, s31  }
.LBB2_1:
0xe: {  	s13 =	simm.s32 $0x0  }
.LBB2_2:
0xf: {  	p0 =	sne.s32 s13, $0x9FC0  }
.Ltmp0:
0x10: {  	_ = 	snop;
	(pc) =	sbr.rel @p0 .LBB2_2-.Ltmp0, $3  }
0x11: {  	_ =	sdelay $0x1  }
0x12: {  	s14 =	sshra.s32 s13, $0x2  }
0x13: {  	s13 =	sadd.s32 $0x40, s13;
	[tilespmem:s14+$0x0] =	vst v0  }
0x14: {  	s13 =	simm.s32 $0x0  }
.LBB2_4:
0x15: {  	s14 =	sadd.s32 s13, s6  }
0x16: {  	[tilespmem:s7], [sflag:$0x1] =	stream.linear.gather [hbm4b:s14+s2], $0x80, $0x38;
	[tilespmem:$0x2900] =	vst v63  }
0x17: {  	_ =	swait.ge [sflag:s8], $0x80  }
0x18: {  	[sflag:s8] =	ssyncset.done $0x0  }
0x19: {  	s31 =	sadd.s32 s13, s5;
	[sflag:s8] =	ssyncadd.s32 $0xFFFFFF80  }
0x1a: {  	[tilespmem:s9], [sflag:$0x1] =	stream.linear.gather [hbm4b:s31+s2], $0x80, $0x38;
	[tilespmem:$0x2900] =	vst v63  }
0x1b: {  	_ =	swait.ge [sflag:s8], $0x80  }
0x1c: {  	[sflag:s8] =	ssyncset.done $0x0  }
0x1d: {  	[sflag:s8] =	ssyncadd.s32 $0xFFFFFF80  }
0x1e: {  	v1 =	vld [tilespmem:$0x2800];
	_ =	sdelay $0x2  }
0x1f: {  	v2 =	vld [tilespmem:$0x2880];
	_ =	sdelay $0x4  }
0x20: {  	[tilespmem:v1+s2+$0x0] =	vst.idx.add.f32.msk $0xffff, v2  }
0x21: {  	v1 =	vld [tilespmem:$0x2810];
	_ =	sdelay $0x2  }
0x22: {  	v2 =	vld [tilespmem:$0x2890];
	_ =	sdelay $0x4  }
0x23: {  	[tilespmem:v1+s2+$0x0] =	vst.idx.add.f32.msk $0xffff, v2  }
0x24: {  	v1 =	vld [tilespmem:$0x2820];
	_ =	sdelay $0x2  }
0x25: {  	v2 =	vld [tilespmem:$0x28A0];
	_ =	sdelay $0x4  }
0x26: {  	[tilespmem:v1+s2+$0x0] =	vst.idx.add.f32.msk $0xffff, v2  }
0x27: {  	v1 =	vld [tilespmem:$0x2830];
	_ =	sdelay $0x2  }
0x28: {  	v2 =	vld [tilespmem:$0x28B0];
	_ =	sdelay $0x4  }
0x29: {  	[tilespmem:v1+s2+$0x0] =	vst.idx.add.f32.msk $0xffff, v2  }
0x2a: {  	v1 =	vld [tilespmem:$0x2840];
	_ =	sdelay $0x2  }
0x2b: {  	v2 =	vld [tilespmem:$0x28C0];
	_ =	sdelay $0x4  }
0x2c: {  	[tilespmem:v1+s2+$0x0] =	vst.idx.add.f32.msk $0xffff, v2  }
0x2d: {  	v1 =	vld [tilespmem:$0x2850];
	_ =	sdelay $0x2  }
0x2e: {  	v2 =	vld [tilespmem:$0x28D0];
	_ =	sdelay $0x4  }
0x2f: {  	[tilespmem:v1+s2+$0x0] =	vst.idx.add.f32.msk $0xffff, v2  }
0x30: {  	v1 =	vld [tilespmem:$0x2860];
	_ =	sdelay $0x2  }
0x31: {  	v2 =	vld [tilespmem:$0x28E0];
	_ =	sdelay $0x4  }
0x32: {  	[tilespmem:v1+s2+$0x0] =	vst.idx.add.f32.msk $0xffff, v2  }
0x33: {  	v1 =	vld [tilespmem:$0x2870];
	_ =	sdelay $0x2  }
0x34: {  	p0 =	sne.s32 s13, $0x4E0;
	v2 =	vld [tilespmem:$0x28F0]  }
.Ltmp1:
0x35: {  	_ = 	snop;
	(pc) =	sbr.rel @p0 .LBB2_4-.Ltmp1, $2  }
0x36: {  	_ =	sdelay $0x2  }
0x37: {  	s13 =	sadd.s32 $0x10, s13;
	[tilespmem:v1+s2+$0x0] =	vst.idx.add.f32.msk $0xffff, v2  }
0x38: {  	s12 =	sadd.s32 $0x1, s12  }
0x39: {  	p0 =	sne.s32 s12, s4  }
.Ltmp2:
0x3a: {  	_ = 	snop;
	(pc) =	sbr.rel @p0 .LBB2_1-.Ltmp2, $4  }
0x3b: {  	[hbm4b:s3+s10] =	stream.strided.scatter [tilespmem:s2], [sflag:$0x1], $0x2800, s11, s10, $0x38;
	[tilespmem:$0x2900] =	vst v63  }
0x3c: {  	_ =	swait.ge [sflag:s8], $0x2800  }
0x3d: {  	[sflag:s8] =	ssyncset.done $0x0  }
0x3e: {  	[sflag:s8] =	ssyncadd.s32 $0xFFFFD800  }
0x3f: {  	_ =	sfence.sel $0x180000  }
0x40: {  	[bflag:$0x0] =	sbarrier.arrive $0xFFFF  }
0x41: {  	p0 =	sne.s32 s1, $0x0;
	_ =	strace $0x90000047  }
0x42: {  	s0 =	sadd.s32 @!p0 $0x100000, s0;
	[bflag:$0x2] =	sbarrier.arrive $0xFFFF  }
0x43: {  	[sflag:s0] =	ssyncadd.tile.s32 @!p0 $0x1;
	_ =	shalt  }
.Lfunc_end2:
_tile_overlayer_lowered:
.L_overlay_start_2:
0x44: {  	(tag) =	ssettag $0x2  }
0x45: {  	s0 =	rddreg [dreg:$0x0];
	s2 =	stileid.u32  }
0x46: {  	s1 =	rddreg [dreg:$0x1];
	p0 =	sne.s32 s2, $0x0  }
0x47: {  	s3 =	rddreg [dreg:$0x2];
	[bflag:$0x3] =	sbarrier.arrive $0xFFFF;
	s2 =	simm.s32 @!p0 $0x1C01  }
0x48: {  	[timem:s3], [sflag:s2] =	dma.local @!p0 [hbm:s0], s1  }
0x49: {  	s0 =	simm.s32 @!p0 $0x1  }
0x4a: {  	_ =	swait.ge @!p0 [sflag:s0], s1  }
0x4b: {  	s1 =	ssub.s32 @!p0 $0x0, s1;
	[sflag:s0] =	ssyncset.done @!p0 $0x0  }
0x4c: {  	[sflag:s0] =	ssyncadd.s32 @!p0 s1  }
0x4d: {  	[bflag:$0x3] =	sbarrier.arrive $0xFFFF  }
0x4e: {  	_ =	shalt  }

</sc_bundles>
